<compile_context>
chip_gen: v7x
topology: tpu7x:2x2x1
jax: 0.10.2.dev20260603
libtpu: 0.0.44.dev20260713+nightly
codegen_flags: <defaults>
</compile_context>

<pallas_src>
import functools

import jax
import jax.numpy as jnp
from jax import lax
from jax.experimental import pallas as pl
from jax.experimental.pallas import tpu as pltpu
from jax.experimental.pallas import tpu_sc as plsc

_NC = 2
_NS = 16
_CH = 80
_ZR = 40
_OCH = 1000
_DW = 16


def _feat_tc(x, W1, b1, W2, b2, Wg):
    n, d = x.shape
    h = W1.shape[1]
    r = 1000
    assert n % r == 0

    def body(x_ref, w1_ref, b1_ref, w2_ref, b2_ref, wg_ref, hf_ref, xw_ref):
        xb = x_ref[...]
        t = jnp.dot(xb, w1_ref[...], preferred_element_type=jnp.float32)
        t = jnp.maximum(t + b1_ref[...], 0.0)
        hf_ref[...] = jnp.dot(t, w2_ref[...],
                              preferred_element_type=jnp.float32) + b2_ref[...]
        xw_ref[...] = jnp.dot(xb, wg_ref[...],
                              preferred_element_type=jnp.float32)

    return pl.pallas_call(
        body,
        grid=(n // r,),
        in_specs=[
            pl.BlockSpec((r, d), lambda i: (i, 0)),
            pl.BlockSpec((d, h), lambda i: (0, 0)),
            pl.BlockSpec((1, h), lambda i: (0, 0)),
            pl.BlockSpec((h, h), lambda i: (0, 0)),
            pl.BlockSpec((1, h), lambda i: (0, 0)),
            pl.BlockSpec((d, h), lambda i: (0, 0)),
        ],
        out_specs=[pl.BlockSpec((r, h), lambda i: (i, 0)),
                   pl.BlockSpec((r, h), lambda i: (i, 0))],
        out_shape=[jax.ShapeDtypeStruct((n, h), jnp.float32),
                   jax.ShapeDtypeStruct((n, h), jnp.float32)],
    )(x, W1, b1.reshape(1, h), W2, b2.reshape(1, h), Wg)


def _sc_degree(dst, n):
    h = _DW
    e = dst.shape[0]
    ept = e // (_NC * _NS)
    nchunk = ept // _CH
    nact = n // _OCH
    assert ept % _CH == 0 and n % _OCH == 0 and nact <= _NS
    mesh = plsc.VectorSubcoreMesh(core_axis_name="c", subcore_axis_name="s")

    @functools.partial(
        pl.kernel,
        out_type=jax.ShapeDtypeStruct((_NC, n, h), jnp.float32),
        mesh=mesh,
        scratch_types=[
            pltpu.VMEM((_CH,), jnp.int32),
            pltpu.VMEM((_CH,), jnp.int32),
            pltpu.VMEM((_CH, h), jnp.float32),
            pltpu.VMEM((_ZR, h), jnp.float32),
            pltpu.VMEM_SHARED((n, h), jnp.float32),
            pltpu.SemaphoreType.DMA,
            pltpu.SemaphoreType.DMA,
        ],
    )
    def k(dst_ref, out_ref, idx0, idx1, ones_v, zb_v, acc_sh, sem0, sem1):
        c = lax.axis_index("c")
        s = lax.axis_index("s")
        wid = s * _NC + c
        idx = (idx0, idx1)
        sem = (sem0, sem1)

        for b in range(2):
            base = pl.multiple_of(wid * ept + b * _CH, _CH)
            pltpu.async_copy(dst_ref.at[pl.ds(base, _CH)], idx[b], sem[b])

        @pl.loop(0, _ZR)
        def _(i):
            @pl.loop(0, h, step=16)
            def _(j):
                zb_v[pl.ds(i, 1), pl.ds(j, 16)] = jnp.zeros((1, 16), jnp.float32)

        @pl.loop(0, _CH)
        def _(i):
            @pl.loop(0, h, step=16)
            def _(j):
                ones_v[pl.ds(i, 1), pl.ds(j, 16)] = jnp.ones((1, 16), jnp.float32)

        @pl.when(s < nact)
        def _():
            @pl.loop(0, _OCH // _ZR)
            def _(k2):
                row0 = pl.multiple_of(s * _OCH + k2 * _ZR, 8)
                pltpu.sync_copy(zb_v, acc_sh.at[pl.ds(row0, _ZR)])

        plsc.subcore_barrier()

        @pl.loop(0, nchunk, step=2)
        def _(ci):
            for b in range(2):
                cur = ci + b

                @pl.when(cur < nchunk)
                def _():
                    pltpu.make_async_copy(
                        dst_ref.at[pl.ds(pl.multiple_of(0, _CH), _CH)],
                        idx[b], sem[b]).wait()
                    pltpu.sync_copy(ones_v, acc_sh.at[idx[b]], add=True)

                    @pl.when(cur + 2 < nchunk)
                    def _():
                        base = pl.multiple_of(wid * ept + (cur + 2) * _CH, _CH)
                        pltpu.async_copy(dst_ref.at[pl.ds(base, _CH)],
                                         idx[b], sem[b])

        plsc.subcore_barrier()

        @pl.when(s < nact)
        def _():
            row0 = pl.multiple_of(s * _OCH, 8)
            pltpu.sync_copy(acc_sh.at[pl.ds(row0, _OCH)],
                            out_ref.at[c, pl.ds(row0, _OCH)])

    return k(dst)


def _scale_tc(xw, d0, d1):
    n, h = xw.shape
    r = 1000
    assert n % r == 0

    def body(xw_ref, d0_ref, d1_ref, y_ref):
        deg = d0_ref[...][:, :1] + d1_ref[...][:, :1] + 1.0
        y_ref[...] = xw_ref[...] * lax.rsqrt(deg)

    blk = pl.BlockSpec((r, h), lambda i: (i, 0))
    dblk = pl.BlockSpec((r, _DW), lambda i: (i, 0))
    return pl.pallas_call(
        body,
        grid=(n // r,),
        in_specs=[blk, dblk, dblk],
        out_specs=blk,
        out_shape=jax.ShapeDtypeStruct((n, h), jnp.float32),
    )(xw, d0, d1)


def _sc_scatter(src, dst, y):
    e = src.shape[0]
    n, h = y.shape
    ept = e // (_NC * _NS)
    nchunk = ept // _CH
    nact = n // _OCH
    assert ept % _CH == 0 and n % _OCH == 0 and nact <= _NS
    mesh = plsc.VectorSubcoreMesh(core_axis_name="c", subcore_axis_name="s")

    @functools.partial(
        pl.kernel,
        out_type=jax.ShapeDtypeStruct((_NC, n, h), jnp.float32),
        mesh=mesh,
        scratch_types=[
            pltpu.VMEM((_CH,), jnp.int32),
            pltpu.VMEM((_CH,), jnp.int32),
            pltpu.VMEM((_CH,), jnp.int32),
            pltpu.VMEM((_CH,), jnp.int32),
            pltpu.VMEM((_CH, h), jnp.float32),
            pltpu.VMEM((_CH, h), jnp.float32),
            pltpu.VMEM((_ZR, h), jnp.float32),
            pltpu.VMEM_SHARED((n, h), jnp.float32),
            pltpu.SemaphoreType.DMA,
            pltpu.SemaphoreType.DMA,
        ],
    )
    def k(src_ref, dst_ref, y_ref, out_ref, sidx0, sidx1,
          didx0, didx1, rows0, rows1,
          zb_v, acc_sh, sem0, sem1):
        c = lax.axis_index("c")
        s = lax.axis_index("s")
        wid = s * _NC + c
        @pl.loop(0, _ZR)
        def _(i):
            @pl.loop(0, h, step=16)
            def _(j):
                zb_v[pl.ds(i, 1), pl.ds(j, 16)] = jnp.zeros((1, 16), jnp.float32)

        @pl.when(s < nact)
        def _():
            @pl.loop(0, _OCH // _ZR)
            def _(k2):
                row0 = pl.multiple_of(s * _OCH + k2 * _ZR, 8)
                pltpu.sync_copy(zb_v, acc_sh.at[pl.ds(row0, _ZR)])

        plsc.subcore_barrier()

        @pl.loop(0, nchunk - (nchunk % 2), step=2)
        def _(ci):
            base0 = pl.multiple_of(wid * ept + ci * _CH, _CH)
            base1 = pl.multiple_of(wid * ept + (ci + 1) * _CH, _CH)
            pltpu.sync_copy(src_ref.at[pl.ds(base0, _CH)], sidx0)
            pltpu.sync_copy(dst_ref.at[pl.ds(base0, _CH)], didx0)
            pltpu.sync_copy(src_ref.at[pl.ds(base1, _CH)], sidx1)
            pltpu.sync_copy(dst_ref.at[pl.ds(base1, _CH)], didx1)
            cp0 = pltpu.async_copy(y_ref.at[sidx0], rows0, sem0)
            cp1 = pltpu.async_copy(y_ref.at[sidx1], rows1, sem1)
            cp0.wait()
            pltpu.sync_copy(rows0, acc_sh.at[didx0], add=True)
            cp1.wait()
            pltpu.sync_copy(rows1, acc_sh.at[didx1], add=True)

        if nchunk % 2:
            base = pl.multiple_of(wid * ept + (nchunk - 1) * _CH, _CH)
            pltpu.sync_copy(src_ref.at[pl.ds(base, _CH)], sidx0)
            pltpu.sync_copy(dst_ref.at[pl.ds(base, _CH)], didx0)
            pltpu.async_copy(y_ref.at[sidx0], rows0, sem0).wait()
            pltpu.sync_copy(rows0, acc_sh.at[didx0], add=True)

        plsc.subcore_barrier()

        @pl.when(s < nact)
        def _():
            row0 = pl.multiple_of(s * _OCH, 8)
            pltpu.sync_copy(acc_sh.at[pl.ds(row0, _OCH)],
                            out_ref.at[c, pl.ds(row0, _OCH)])

    return k(src, dst, y)


def _final_tc(u0, u1, y, d0, d1, hf, bg, Ws1, bs1, Ws2, bs2, WoT, WoB, bo):
    n, h = y.shape
    o = WoT.shape[1]
    r = 1000
    assert n % r == 0

    def body(u0_ref, u1_ref, y_ref, d0_ref, d1_ref, hf_ref, bg_ref,
             ws1_ref, bs1_ref, ws2_ref, bs2_ref, wot_ref, wob_ref, bo_ref,
             out_ref):
        deg = d0_ref[...][:, :1] + d1_ref[...][:, :1] + 1.0
        dinv = lax.rsqrt(deg)
        hagg = (u0_ref[...] + u1_ref[...] + y_ref[...]) * dinv + bg_ref[...]
        t = jnp.dot(hagg, ws1_ref[...], preferred_element_type=jnp.float32)
        t = jnp.maximum(t + bs1_ref[...], 0.0)
        hs = jnp.dot(t, ws2_ref[...],
                     preferred_element_type=jnp.float32) + bs2_ref[...]
        out_ref[...] = (
            jnp.dot(hf_ref[...], wot_ref[...], preferred_element_type=jnp.float32)
            + jnp.dot(hs, wob_ref[...], preferred_element_type=jnp.float32)
            + bo_ref[...])

    full = lambda a, b: pl.BlockSpec((a, b), lambda i: (0, 0))
    blk = lambda w: pl.BlockSpec((r, w), lambda i: (i, 0))
    return pl.pallas_call(
        body,
        grid=(n // r,),
        in_specs=[
            blk(h), blk(h), blk(h), blk(_DW), blk(_DW), blk(h),
            full(1, h), full(h, h), full(1, h), full(h, h), full(1, h),
            full(h, o), full(h, o), full(1, o),
        ],
        out_specs=pl.BlockSpec((r, o), lambda i: (i, 0)),
        out_shape=jax.ShapeDtypeStruct((n, o), jnp.float32),
    )(u0, u1, y, d0, d1, hf, bg.reshape(1, h), Ws1, bs1.reshape(1, h),
      Ws2, bs2.reshape(1, h), WoT, WoB, bo.reshape(1, o))


def kernel(x, edge_index, W1, b1, W2, b2, Wg, bg, Ws1, bs1, Ws2, bs2, Wo, bo):
    n = x.shape[0]
    h = W1.shape[1]
    src = edge_index[0]
    dst = edge_index[1]

    hf, xw = _feat_tc(x, W1, b1, W2, b2, Wg)
    degp = _sc_degree(dst, n)
    y = _scale_tc(xw, degp[0], degp[1])
    up = _sc_scatter(src, dst, y)
    return _final_tc(up[0], up[1], y, degp[0], degp[1], hf,
                     bg, Ws1, bs1, Ws2, bs2, Wo[:h], Wo[h:], bo)

# --- scband reference (transcript-rebuilt; emitter-appended) ---
"""Pipeline reference for scband-linkx-5342939316791 (READ-ONLY COPY).

The authoritative reference and input builder live on the scoring server;
editing this copy changes nothing except your own understanding.
"""

import jax, jax.numpy as jnp
import numpy as np

N, E, D, H, O = 10000, 320000, 128, 128, 128

def setup_inputs(seed: int = 0) -> dict:
    key = jax.random.key(seed)
    ks = jax.random.split(key, 16)
    s = 0.05
    x = jax.random.normal(ks[0], (N, D), dtype=jnp.float32)
    edge_index = jax.random.randint(ks[1], (2, E), 0, N, dtype=jnp.int32)
    W1 = jax.random.normal(ks[2], (D, H), dtype=jnp.float32) * s
    b1 = jnp.zeros((H,), dtype=jnp.float32)
    W2 = jax.random.normal(ks[3], (H, H), dtype=jnp.float32) * s
    b2 = jnp.zeros((H,), dtype=jnp.float32)
    Wg = jax.random.normal(ks[4], (D, H), dtype=jnp.float32) * s
    bg = jnp.zeros((H,), dtype=jnp.float32)
    Ws1 = jax.random.normal(ks[5], (H, H), dtype=jnp.float32) * s
    bs1 = jnp.zeros((H,), dtype=jnp.float32)
    Ws2 = jax.random.normal(ks[6], (H, H), dtype=jnp.float32) * s
    bs2 = jnp.zeros((H,), dtype=jnp.float32)
    Wo = jax.random.normal(ks[7], (2 * H, O), dtype=jnp.float32) * s
    bo = jnp.zeros((O,), dtype=jnp.float32)
    return {"x": x, "edge_index": edge_index, "W1": W1, "b1": b1, "W2": W2, "b2": b2,
            "Wg": Wg, "bg": bg, "Ws1": Ws1, "bs1": bs1, "Ws2": Ws2, "bs2": bs2,
            "Wo": Wo, "bo": bo}

def reference(x, edge_index, W1, b1, W2, b2, Wg, bg, Ws1, bs1, Ws2, bs2, Wo, bo):
    n = x.shape[0]
    # feature MLP (eval mode: dropout inactive)
    h_feat = jax.nn.relu(x @ W1 + b1) @ W2 + b2
    # GCNConv with added self loops and symmetric normalization
    loop = jnp.arange(n, dtype=edge_index.dtype)
    src = jnp.concatenate([edge_index[0], loop])
    dst = jnp.concatenate([edge_index[1], loop])
    deg = jnp.zeros((n,), dtype=jnp.float32).at[dst].add(1.0)
    dinv = jnp.where(deg > 0, jax.lax.rsqrt(deg), 0.0)
    norm = dinv[src] * dinv[dst]
    xw = x @ Wg
    msg = jnp.take(xw, src, axis=0) * norm[:, None]
    h_agg = jnp.zeros((n, xw.shape[1]), dtype=jnp.float32).at[dst].add(msg) + bg
    # structure MLP
    h_struct = jax.nn.relu(h_agg @ Ws1 + bs1) @ Ws2 + bs2
    h = jnp.concatenate([h_feat, h_struct], axis=1)
    return h @ Wo + bo

if __name__ == "__main__":
    import jax
    _d = setup_inputs()
    print(jax.jit(kernel)(*tuple(_d.values())))

</pallas_src>

<mosaic_0001>
#map = affine_map<(d0, d1) -> (0)>
#map1 = affine_map<(d0, d1) -> (0, 0, 0)>
module attributes {stable_mosaic.version = 14 : i64} {
  func.func @k(%arg0: i32, %arg1: i32, %arg2: memref<320000xi32, #tpu.memory_space<hbm>>, %arg3: memref<2x10000x16xf32, #tpu.memory_space<hbm>>, %arg4: memref<80xi32, #tpu.memory_space<vmem>>, %arg5: memref<80xi32, #tpu.memory_space<vmem>>, %arg6: memref<80x16xf32, #tpu.memory_space<vmem>>, %arg7: memref<40x16xf32, #tpu.memory_space<vmem>>, %arg8: memref<10000x16xf32, #tpu.memory_space<vmem_shared>>, %arg9: memref<!tpu.dma_semaphore, #tpu.memory_space<semaphore_mem>>, %arg10: memref<!tpu.dma_semaphore, #tpu.memory_space<semaphore_mem>>) attributes {dimension_semantics = [#tpu.dimension_semantics<core_parallel>, #tpu.dimension_semantics<subcore_parallel>], iteration_bounds = array<i64: 2, 16>, scalar_prefetch = 0 : i64, scratch_operands = 7 : i64, tpu.core_type = #tpu.core_type<sc_vector_subcore>, window_params = [{transform_indices = #map}, {transform_indices = #map1}]} {
    %mul3A = arith.constant 2 : i32
    %mul3A_0 = arith.muli %arg1, %mul3A : i32
    %add3A = arith.addi %mul3A_0, %arg0 : i32
    %mul3A_1 = arith.constant 10000 : i32
    %mul3A_2 = arith.muli %add3A, %mul3A_1 : i32
    %add3A_3 = arith.constant 0 : i32
    %add3A_4 = arith.addi %mul3A_2, %add3A_3 : i32
    %multiple_of3A = tpu.assume_multiple %add3A_4, 80 : i32
    %dma_start3A = tpu.memref_slice %arg2[%multiple_of3A] : memref<320000xi32, #tpu.memory_space<hbm>> -> memref<80xi32, #tpu.memory_space<hbm>>
    %dma_start3A_5 = tpu.memref_slice %arg2[%multiple_of3A] : memref<320000xi32, #tpu.memory_space<hbm>> -> memref<80xi32, #tpu.memory_space<hbm>>
    tpu.enqueue_dma source(%dma_start3A_5 : memref<80xi32, #tpu.memory_space<hbm>>) target(%arg4 : memref<80xi32, #tpu.memory_space<vmem>>) target_semaphore(%arg9 : memref<!tpu.dma_semaphore, #tpu.memory_space<semaphore_mem>>)
    %mul3A_6 = arith.constant 10000 : i32
    %mul3A_7 = arith.muli %add3A, %mul3A_6 : i32
    %add3A_8 = arith.constant 80 : i32
    %add3A_9 = arith.addi %mul3A_7, %add3A_8 : i32
    %multiple_of3A_10 = tpu.assume_multiple %add3A_9, 80 : i32
    %dma_start3A_11 = tpu.memref_slice %arg2[%multiple_of3A_10] : memref<320000xi32, #tpu.memory_space<hbm>> -> memref<80xi32, #tpu.memory_space<hbm>>
    %dma_start3A_12 = tpu.memref_slice %arg2[%multiple_of3A_10] : memref<320000xi32, #tpu.memory_space<hbm>> -> memref<80xi32, #tpu.memory_space<hbm>>
    tpu.enqueue_dma source(%dma_start3A_12 : memref<80xi32, #tpu.memory_space<hbm>>) target(%arg5 : memref<80xi32, #tpu.memory_space<vmem>>) target_semaphore(%arg10 : memref<!tpu.dma_semaphore, #tpu.memory_space<semaphore_mem>>)
    %scan3A = arith.constant 0 : i32
    %scan3A_13 = arith.constant 40 : i32
    %scan3A_14 = arith.addi %scan3A, %scan3A_13 : i32
    %scan3A_15 = arith.constant 1 : i32
    scf.for %scan3A_35 = %scan3A to %scan3A_14 step %scan3A_15  : i32 {
      %mul3A_36 = arith.constant 1 : i32
      %mul3A_37 = arith.muli %scan3A_35, %mul3A_36 : i32
      %add3A_38 = arith.constant 0 : i32
      %add3A_39 = arith.addi %add3A_38, %mul3A_37 : i32
      %scan3A_40 = arith.constant 0 : i32
      %mul3A_41 = arith.constant 16 : i32
      %mul3A_42 = arith.muli %scan3A_40, %mul3A_41 : i32
      %add3A_43 = arith.constant 0 : i32
      %add3A_44 = arith.addi %add3A_43, %mul3A_42 : i32
      %broadcast_in_dim3A = arith.constant 0.000000e+00 : f32
      %broadcast_in_dim3A_45 = vector.broadcast %broadcast_in_dim3A : f32 to vector<1x16xf32>
      %swap3A = arith.index_cast %add3A_39 : i32 to index
      %swap3A_46 = arith.index_cast %add3A_44 : i32 to index
      %swap3A_47 = tpu.vector_load %arg7[%swap3A, %swap3A_46] {strides = array<i32>} : memref<40x16xf32, #tpu.memory_space<vmem>>, vector<1x16xf32>,
      %swap3A_48 = vector.shape_cast %swap3A_47 : vector<1x16xf32> to vector<1x16xf32>
      %swap3A_49 = vector.shape_cast %broadcast_in_dim3A_45 : vector<1x16xf32> to vector<1x16xf32>
      tpu.vector_store %arg7[%swap3A, %swap3A_46], %swap3A_49 {strides = array<i32>} : memref<40x16xf32, #tpu.memory_space<vmem>>, vector<1x16xf32>,
      %scan3A_50 = arith.constant 1 : i32
    }
    %scan3A_16 = arith.constant 40 : i32
    %scan3A_17 = arith.constant 0 : i32
    %scan3A_18 = arith.constant 80 : i32
    %scan3A_19 = arith.addi %scan3A_17, %scan3A_18 : i32
    %scan3A_20 = arith.constant 1 : i32
    scf.for %scan3A_35 = %scan3A_17 to %scan3A_19 step %scan3A_20  : i32 {
      %mul3A_36 = arith.constant 1 : i32
      %mul3A_37 = arith.muli %scan3A_35, %mul3A_36 : i32
      %add3A_38 = arith.constant 0 : i32
      %add3A_39 = arith.addi %add3A_38, %mul3A_37 : i32
      %scan3A_40 = arith.constant 0 : i32
      %mul3A_41 = arith.constant 16 : i32
      %mul3A_42 = arith.muli %scan3A_40, %mul3A_41 : i32
      %add3A_43 = arith.constant 0 : i32
      %add3A_44 = arith.addi %add3A_43, %mul3A_42 : i32
      %broadcast_in_dim3A = arith.constant 1.000000e+00 : f32
      %broadcast_in_dim3A_45 = vector.broadcast %broadcast_in_dim3A : f32 to vector<1x16xf32>
      %swap3A = arith.index_cast %add3A_39 : i32 to index
      %swap3A_46 = arith.index_cast %add3A_44 : i32 to index
      %swap3A_47 = tpu.vector_load %arg6[%swap3A, %swap3A_46] {strides = array<i32>} : memref<80x16xf32, #tpu.memory_space<vmem>>, vector<1x16xf32>,
      %swap3A_48 = vector.shape_cast %swap3A_47 : vector<1x16xf32> to vector<1x16xf32>
      %swap3A_49 = vector.shape_cast %broadcast_in_dim3A_45 : vector<1x16xf32> to vector<1x16xf32>
      tpu.vector_store %arg6[%swap3A, %swap3A_46], %swap3A_49 {strides = array<i32>} : memref<80x16xf32, #tpu.memory_space<vmem>>, vector<1x16xf32>,
      %scan3A_50 = arith.constant 1 : i32
    }
    %scan3A_21 = arith.constant 80 : i32
    %lt3A = arith.constant 10 : i32
    %lt3A_22 = arith.cmpi slt, %arg1, %lt3A : i32
    %convert_element_type3A = arith.extui %lt3A_22 : i1 to i32
    %cond3A = arith.constant 0 : i32
    %cond3A_23 = arith.cmpi ne, %convert_element_type3A, %cond3A : i32
    scf.if %cond3A_23 {
      %scan3A_35 = arith.constant 0 : i32
      %scan3A_36 = arith.constant 25 : i32
      %scan3A_37 = arith.addi %scan3A_35, %scan3A_36 : i32
      %scan3A_38 = arith.constant 1 : i32
      scf.for %scan3A_40 = %scan3A_35 to %scan3A_37 step %scan3A_38  : i32 {
        %mul3A_41 = arith.constant 1 : i32
        %mul3A_42 = arith.muli %scan3A_40, %mul3A_41 : i32
        %add3A_43 = arith.constant 0 : i32
        %add3A_44 = arith.addi %add3A_43, %mul3A_42 : i32
        %mul3A_45 = arith.constant 1000 : i32
        %mul3A_46 = arith.muli %arg1, %mul3A_45 : i32
        %mul3A_47 = arith.constant 40 : i32
        %mul3A_48 = arith.muli %add3A_44, %mul3A_47 : i32
        %add3A_49 = arith.addi %mul3A_46, %mul3A_48 : i32
        %multiple_of3A_50 = tpu.assume_multiple %add3A_49, 8 : i32
        "tpu.region"() ({
          %run_scoped3A = tpu.sem_alloc : memref<!tpu.dma_semaphore, #tpu.memory_space<semaphore_mem>>
          %dma_start3A_51 = arith.constant 0 : i32
          %dma_start3A_52 = tpu.memref_slice %arg8[%multiple_of3A_50, %dma_start3A_51] : memref<10000x16xf32, #tpu.memory_space<vmem_shared>> -> memref<40x16xf32, #tpu.memory_space<vmem_shared>>
          %dma_start3A_53 = arith.constant 0 : i32
          %dma_start3A_54 = tpu.memref_slice %arg8[%multiple_of3A_50, %dma_start3A_53] : memref<10000x16xf32, #tpu.memory_space<vmem_shared>> -> memref<40x16xf32, #tpu.memory_space<vmem_shared>>
          tpu.enqueue_dma source(%arg7 : memref<40x16xf32, #tpu.memory_space<vmem>>) target(%dma_start3A_54 : memref<40x16xf32, #tpu.memory_space<vmem_shared>>) target_semaphore(%run_scoped3A : memref<!tpu.dma_semaphore, #tpu.memory_space<semaphore_mem>>)
          %dma_wait3A = arith.constant 0 : i32
          %dma_wait3A_55 = tpu.memref_slice %arg8[%multiple_of3A_50, %dma_wait3A] : memref<10000x16xf32, #tpu.memory_space<vmem_shared>> -> memref<40x16xf32, #tpu.memory_space<vmem_shared>>
          %dma_wait3A_56 = arith.constant 0 : i32
          %dma_wait3A_57 = tpu.memref_slice %arg8[%multiple_of3A_50, %dma_wait3A_56] : memref<10000x16xf32, #tpu.memory_space<vmem_shared>> -> memref<40x16xf32, #tpu.memory_space<vmem_shared>>
          tpu.wait_dma2 semaphore(%run_scoped3A : memref<!tpu.dma_semaphore, #tpu.memory_space<semaphore_mem>>) src(%arg7 : memref<40x16xf32, #tpu.memory_space<vmem>>) dst(%dma_wait3A_57 : memref<40x16xf32, #tpu.memory_space<vmem_shared>>)
          tpu.yield
        }) : () -> ()
      }
      %scan3A_39 = arith.constant 25 : i32
    } else {
    }
    %barrier3A = arith.constant 0 : index
    tpu.barrier barrier_id(%barrier3A)
    %scan3A_24 = arith.constant 0 : i32
    %scan3A_25 = arith.constant 63 : i32
    %scan3A_26 = arith.addi %scan3A_24, %scan3A_25 : i32
    %scan3A_27 = arith.constant 1 : i32
    scf.for %scan3A_35 = %scan3A_24 to %scan3A_26 step %scan3A_27  : i32 {
      %mul3A_36 = arith.constant 2 : i32
      %mul3A_37 = arith.muli %scan3A_35, %mul3A_36 : i32
      %add3A_38 = arith.constant 0 : i32
      %add3A_39 = arith.addi %add3A_38, %mul3A_37 : i32
      %add3A_40 = arith.constant 0 : i32
      %add3A_41 = arith.addi %add3A_39, %add3A_40 : i32
      %lt3A_42 = arith.constant 125 : i32
      %lt3A_43 = arith.cmpi slt, %add3A_41, %lt3A_42 : i32
      %convert_element_type3A_44 = arith.extui %lt3A_43 : i1 to i32
      %cond3A_45 = arith.constant 0 : i32
      %cond3A_46 = arith.cmpi ne, %convert_element_type3A_44, %cond3A_45 : i32
      scf.if %cond3A_46 {
        %multiple_of3A_54 = arith.constant 0 : i32
        %multiple_of3A_55 = tpu.assume_multiple %multiple_of3A_54, 80 : i32
        %dma_wait3A = tpu.memref_slice %arg2[%multiple_of3A_55] : memref<320000xi32, #tpu.memory_space<hbm>> -> memref<80xi32, #tpu.memory_space<hbm>>
        %dma_wait3A_56 = tpu.memref_slice %arg2[%multiple_of3A_55] : memref<320000xi32, #tpu.memory_space<hbm>> -> memref<80xi32, #tpu.memory_space<hbm>>
        tpu.wait_dma2 semaphore(%arg9 : memref<!tpu.dma_semaphore, #tpu.memory_space<semaphore_mem>>) src(%dma_wait3A_56 : memref<80xi32, #tpu.memory_space<hbm>>) dst(%arg4 : memref<80xi32, #tpu.memory_space<vmem>>)
        "tpu.region"() ({
          %run_scoped3A = tpu.sem_alloc : memref<!tpu.dma_semaphore, #tpu.memory_space<semaphore_mem>>
          %dma_start3A_64 = arith.constant 0 : i32
          %dma_start3A_65 = arith.constant 0 : i32
          %dma_start3A_66 = tpu.memref_slice %arg8[%dma_start3A_64, %dma_start3A_65] : memref<10000x16xf32, #tpu.memory_space<vmem_shared>> -> memref<10000x16xf32, #tpu.memory_space<vmem_shared>>
          tpu.enqueue_indirect_dma source(%arg6 : memref<80x16xf32, #tpu.memory_space<vmem>>) target(%dma_start3A_66 : memref<10000x16xf32, #tpu.memory_space<vmem_shared>>) offsets(%arg4 : memref<80xi32, #tpu.memory_space<vmem>>) semaphore(%run_scoped3A : memref<!tpu.dma_semaphore, #tpu.memory_space<semaphore_mem>>) {add = true}
          %dma_wait3A_67 = arith.constant 0 : i32
          %dma_wait3A_68 = arith.constant 0 : i32
          %dma_wait3A_69 = tpu.memref_slice %arg8[%dma_wait3A_67, %dma_wait3A_68] : memref<10000x16xf32, #tpu.memory_space<vmem_shared>> -> memref<10000x16xf32, #tpu.memory_space<vmem_shared>>
          tpu.wait_indirect_dma semaphore(%run_scoped3A : memref<!tpu.dma_semaphore, #tpu.memory_space<semaphore_mem>>) src(%arg6 : memref<80x16xf32, #tpu.memory_space<vmem>>) dst(%dma_wait3A_69 : memref<10000x16xf32, #tpu.memory_space<vmem_shared>>)
          tpu.yield
        }) : () -> ()
        %add3A_57 = arith.constant 2 : i32
        %add3A_58 = arith.addi %add3A_41, %add3A_57 : i32
        %lt3A_59 = arith.constant 125 : i32
        %lt3A_60 = arith.cmpi slt, %add3A_58, %lt3A_59 : i32
        %convert_element_type3A_61 = arith.extui %lt3A_60 : i1 to i32
        %cond3A_62 = arith.constant 0 : i32
        %cond3A_63 = arith.cmpi ne, %convert_element_type3A_61, %cond3A_62 : i32
        scf.if %cond3A_63 {
          %mul3A_64 = arith.constant 10000 : i32
          %mul3A_65 = arith.muli %add3A, %mul3A_64 : i32
          %add3A_66 = arith.constant 2 : i32
          %add3A_67 = arith.addi %add3A_41, %add3A_66 : i32
          %mul3A_68 = arith.constant 80 : i32
          %mul3A_69 = arith.muli %add3A_67, %mul3A_68 : i32
          %add3A_70 = arith.addi %mul3A_65, %mul3A_69 : i32
          %multiple_of3A_71 = tpu.assume_multiple %add3A_70, 80 : i32
          %dma_start3A_72 = tpu.memref_slice %arg2[%multiple_of3A_71] : memref<320000xi32, #tpu.memory_space<hbm>> -> memref<80xi32, #tpu.memory_space<hbm>>
          %dma_start3A_73 = tpu.memref_slice %arg2[%multiple_of3A_71] : memref<320000xi32, #tpu.memory_space<hbm>> -> memref<80xi32, #tpu.memory_space<hbm>>
          tpu.enqueue_dma source(%dma_start3A_73 : memref<80xi32, #tpu.memory_space<hbm>>) target(%arg4 : memref<80xi32, #tpu.memory_space<vmem>>) target_semaphore(%arg9 : memref<!tpu.dma_semaphore, #tpu.memory_space<semaphore_mem>>)
        } else {
        }
      } else {
      }
      %add3A_47 = arith.constant 1 : i32
      %add3A_48 = arith.addi %add3A_39, %add3A_47 : i32
      %lt3A_49 = arith.constant 125 : i32
      %lt3A_50 = arith.cmpi slt, %add3A_48, %lt3A_49 : i32
      %convert_element_type3A_51 = arith.extui %lt3A_50 : i1 to i32
      %cond3A_52 = arith.constant 0 : i32
      %cond3A_53 = arith.cmpi ne, %convert_element_type3A_51, %cond3A_52 : i32
      scf.if %cond3A_53 {
        %multiple_of3A_54 = arith.constant 0 : i32
        %multiple_of3A_55 = tpu.assume_multiple %multiple_of3A_54, 80 : i32
        %dma_wait3A = tpu.memref_slice %arg2[%multiple_of3A_55] : memref<320000xi32, #tpu.memory_space<hbm>> -> memref<80xi32, #tpu.memory_space<hbm>>
        %dma_wait3A_56 = tpu.memref_slice %arg2[%multiple_of3A_55] : memref<320000xi32, #tpu.memory_space<hbm>> -> memref<80xi32, #tpu.memory_space<hbm>>
        tpu.wait_dma2 semaphore(%arg10 : memref<!tpu.dma_semaphore, #tpu.memory_space<semaphore_mem>>) src(%dma_wait3A_56 : memref<80xi32, #tpu.memory_space<hbm>>) dst(%arg5 : memref<80xi32, #tpu.memory_space<vmem>>)
        "tpu.region"() ({
          %run_scoped3A = tpu.sem_alloc : memref<!tpu.dma_semaphore, #tpu.memory_space<semaphore_mem>>
          %dma_start3A_64 = arith.constant 0 : i32
          %dma_start3A_65 = arith.constant 0 : i32
          %dma_start3A_66 = tpu.memref_slice %arg8[%dma_start3A_64, %dma_start3A_65] : memref<10000x16xf32, #tpu.memory_space<vmem_shared>> -> memref<10000x16xf32, #tpu.memory_space<vmem_shared>>
          tpu.enqueue_indirect_dma source(%arg6 : memref<80x16xf32, #tpu.memory_space<vmem>>) target(%dma_start3A_66 : memref<10000x16xf32, #tpu.memory_space<vmem_shared>>) offsets(%arg5 : memref<80xi32, #tpu.memory_space<vmem>>) semaphore(%run_scoped3A : memref<!tpu.dma_semaphore, #tpu.memory_space<semaphore_mem>>) {add = true}
          %dma_wait3A_67 = arith.constant 0 : i32
          %dma_wait3A_68 = arith.constant 0 : i32
          %dma_wait3A_69 = tpu.memref_slice %arg8[%dma_wait3A_67, %dma_wait3A_68] : memref<10000x16xf32, #tpu.memory_space<vmem_shared>> -> memref<10000x16xf32, #tpu.memory_space<vmem_shared>>
          tpu.wait_indirect_dma semaphore(%run_scoped3A : memref<!tpu.dma_semaphore, #tpu.memory_space<semaphore_mem>>) src(%arg6 : memref<80x16xf32, #tpu.memory_space<vmem>>) dst(%dma_wait3A_69 : memref<10000x16xf32, #tpu.memory_space<vmem_shared>>)
          tpu.yield
        }) : () -> ()
        %add3A_57 = arith.constant 2 : i32
        %add3A_58 = arith.addi %add3A_48, %add3A_57 : i32
        %lt3A_59 = arith.constant 125 : i32
        %lt3A_60 = arith.cmpi slt, %add3A_58, %lt3A_59 : i32
        %convert_element_type3A_61 = arith.extui %lt3A_60 : i1 to i32
        %cond3A_62 = arith.constant 0 : i32
        %cond3A_63 = arith.cmpi ne, %convert_element_type3A_61, %cond3A_62 : i32
        scf.if %cond3A_63 {
          %mul3A_64 = arith.constant 10000 : i32
          %mul3A_65 = arith.muli %add3A, %mul3A_64 : i32
          %add3A_66 = arith.constant 2 : i32
          %add3A_67 = arith.addi %add3A_48, %add3A_66 : i32
          %mul3A_68 = arith.constant 80 : i32
          %mul3A_69 = arith.muli %add3A_67, %mul3A_68 : i32
          %add3A_70 = arith.addi %mul3A_65, %mul3A_69 : i32
          %multiple_of3A_71 = tpu.assume_multiple %add3A_70, 80 : i32
          %dma_start3A_72 = tpu.memref_slice %arg2[%multiple_of3A_71] : memref<320000xi32, #tpu.memory_space<hbm>> -> memref<80xi32, #tpu.memory_space<hbm>>
          %dma_start3A_73 = tpu.memref_slice %arg2[%multiple_of3A_71] : memref<320000xi32, #tpu.memory_space<hbm>> -> memref<80xi32, #tpu.memory_space<hbm>>
          tpu.enqueue_dma source(%dma_start3A_73 : memref<80xi32, #tpu.memory_space<hbm>>) target(%arg5 : memref<80xi32, #tpu.memory_space<vmem>>) target_semaphore(%arg10 : memref<!tpu.dma_semaphore, #tpu.memory_space<semaphore_mem>>)
        } else {
        }
      } else {
      }
    }
    %scan3A_28 = arith.constant 63 : i32
    %barrier3A_29 = arith.constant 0 : index
    tpu.barrier barrier_id(%barrier3A_29)
    %lt3A_30 = arith.constant 10 : i32
    %lt3A_31 = arith.cmpi slt, %arg1, %lt3A_30 : i32
    %convert_element_type3A_32 = arith.extui %lt3A_31 : i1 to i32
    %cond3A_33 = arith.constant 0 : i32
    %cond3A_34 = arith.cmpi ne, %convert_element_type3A_32, %cond3A_33 : i32
    scf.if %cond3A_34 {
      %mul3A_35 = arith.constant 1000 : i32
      %mul3A_36 = arith.muli %arg1, %mul3A_35 : i32
      %multiple_of3A_37 = tpu.assume_multiple %mul3A_36, 8 : i32
      "tpu.region"() ({
        %run_scoped3A = tpu.sem_alloc : memref<!tpu.dma_semaphore, #tpu.memory_space<semaphore_mem>>
        %dma_start3A_38 = arith.constant 0 : i32
        %dma_start3A_39 = tpu.memref_slice %arg3[%arg0, %multiple_of3A_37, %dma_start3A_38] : memref<2x10000x16xf32, #tpu.memory_space<hbm>> -> memref<1x1000x16xf32, #tpu.memory_space<hbm>>
        %dma_start3A_40 = tpu.memref_squeeze %dma_start3A_39 : memref<1x1000x16xf32, #tpu.memory_space<hbm>> -> memref<1000x16xf32, #tpu.memory_space<hbm>>
        %dma_start3A_41 = arith.constant 0 : i32
        %dma_start3A_42 = tpu.memref_slice %arg8[%multiple_of3A_37, %dma_start3A_41] : memref<10000x16xf32, #tpu.memory_space<vmem_shared>> -> memref<1000x16xf32, #tpu.memory_space<vmem_shared>>
        tpu.enqueue_dma source(%dma_start3A_42 : memref<1000x16xf32, #tpu.memory_space<vmem_shared>>) target(%dma_start3A_40 : memref<1000x16xf32, #tpu.memory_space<hbm>>) target_semaphore(%run_scoped3A : memref<!tpu.dma_semaphore, #tpu.memory_space<semaphore_mem>>)
        %dma_wait3A = arith.constant 0 : i32
        %dma_wait3A_43 = tpu.memref_slice %arg3[%arg0, %multiple_of3A_37, %dma_wait3A] : memref<2x10000x16xf32, #tpu.memory_space<hbm>> -> memref<1x1000x16xf32, #tpu.memory_space<hbm>>
        %dma_wait3A_44 = tpu.memref_squeeze %dma_wait3A_43 : memref<1x1000x16xf32, #tpu.memory_space<hbm>> -> memref<1000x16xf32, #tpu.memory_space<hbm>>
        %dma_wait3A_45 = arith.constant 0 : i32
        %dma_wait3A_46 = tpu.memref_slice %arg8[%multiple_of3A_37, %dma_wait3A_45] : memref<10000x16xf32, #tpu.memory_space<vmem_shared>> -> memref<1000x16xf32, #tpu.memory_space<vmem_shared>>
        tpu.wait_dma2 semaphore(%run_scoped3A : memref<!tpu.dma_semaphore, #tpu.memory_space<semaphore_mem>>) src(%dma_wait3A_46 : memref<1000x16xf32, #tpu.memory_space<vmem_shared>>) dst(%dma_wait3A_44 : memref<1000x16xf32, #tpu.memory_space<hbm>>)
        tpu.yield
      }) : () -> ()
    } else {
    }
    return
  }
}

#map = affine_map<(d0, d1) -> (0)>
#map1 = affine_map<(d0, d1) -> (0, 0)>
#map2 = affine_map<(d0, d1) -> (0, 0, 0)>
module attributes {stable_mosaic.version = 14 : i64} {
  func.func @k(%arg0: i32, %arg1: i32, %arg2: memref<320000xi32, #tpu.memory_space<hbm>>, %arg3: memref<320000xi32, #tpu.memory_space<hbm>>, %arg4: memref<10000x128xf32, #tpu.memory_space<hbm>>, %arg5: memref<2x10000x128xf32, #tpu.memory_space<hbm>>, %arg6: memref<80xi32, #tpu.memory_space<vmem>>, %arg7: memref<80xi32, #tpu.memory_space<vmem>>, %arg8: memref<80xi32, #tpu.memory_space<vmem>>, %arg9: memref<80xi32, #tpu.memory_space<vmem>>, %arg10: memref<80x128xf32, #tpu.memory_space<vmem>>, %arg11: memref<80x128xf32, #tpu.memory_space<vmem>>, %arg12: memref<40x128xf32, #tpu.memory_space<vmem>>, %arg13: memref<10000x128xf32, #tpu.memory_space<vmem_shared>>, %arg14: memref<!tpu.dma_semaphore, #tpu.memory_space<semaphore_mem>>, %arg15: memref<!tpu.dma_semaphore, #tpu.memory_space<semaphore_mem>>) attributes {dimension_semantics = [#tpu.dimension_semantics<core_parallel>, #tpu.dimension_semantics<subcore_parallel>], iteration_bounds = array<i64: 2, 16>, scalar_prefetch = 0 : i64, scratch_operands = 10 : i64, tpu.core_type = #tpu.core_type<sc_vector_subcore>, window_params = [{transform_indices = #map}, {transform_indices = #map}, {transform_indices = #map1}, {transform_indices = #map2}]} {
    %mul3A = arith.constant 2 : i32
    %mul3A_0 = arith.muli %arg1, %mul3A : i32
    %add3A = arith.addi %mul3A_0, %arg0 : i32
    %scan3A = arith.constant 0 : i32
    %scan3A_1 = arith.constant 40 : i32
    %scan3A_2 = arith.addi %scan3A, %scan3A_1 : i32
    %scan3A_3 = arith.constant 1 : i32
    scf.for %scan3A_26 = %scan3A to %scan3A_2 step %scan3A_3  : i32 {
      %mul3A_27 = arith.constant 1 : i32
      %mul3A_28 = arith.muli %scan3A_26, %mul3A_27 : i32
      %add3A_29 = arith.constant 0 : i32
      %add3A_30 = arith.addi %add3A_29, %mul3A_28 : i32
      %scan3A_31 = arith.constant 0 : i32
      %scan3A_32 = arith.constant 8 : i32
      %scan3A_33 = arith.addi %scan3A_31, %scan3A_32 : i32
      %scan3A_34 = arith.constant 1 : i32
      scf.for %scan3A_36 = %scan3A_31 to %scan3A_33 step %scan3A_34  : i32 {
        %mul3A_37 = arith.constant 16 : i32
        %mul3A_38 = arith.muli %scan3A_36, %mul3A_37 : i32
        %add3A_39 = arith.constant 0 : i32
        %add3A_40 = arith.addi %add3A_39, %mul3A_38 : i32
        %broadcast_in_dim3A = arith.constant 0.000000e+00 : f32
        %broadcast_in_dim3A_41 = vector.broadcast %broadcast_in_dim3A : f32 to vector<1x16xf32>
        %swap3A = arith.index_cast %add3A_30 : i32 to index
        %swap3A_42 = arith.index_cast %add3A_40 : i32 to index
        %swap3A_43 = tpu.vector_load %arg12[%swap3A, %swap3A_42] {strides = array<i32>} : memref<40x128xf32, #tpu.memory_space<vmem>>, vector<1x16xf32>,
        %swap3A_44 = vector.shape_cast %swap3A_43 : vector<1x16xf32> to vector<1x16xf32>
        %swap3A_45 = vector.shape_cast %broadcast_in_dim3A_41 : vector<1x16xf32> to vector<1x16xf32>
        tpu.vector_store %arg12[%swap3A, %swap3A_42], %swap3A_45 {strides = array<i32>} : memref<40x128xf32, #tpu.memory_space<vmem>>, vector<1x16xf32>,
      }
      %scan3A_35 = arith.constant 8 : i32
    }
    %scan3A_4 = arith.constant 40 : i32
    %lt3A = arith.constant 10 : i32
    %lt3A_5 = arith.cmpi slt, %arg1, %lt3A : i32
    %convert_element_type3A = arith.extui %lt3A_5 : i1 to i32
    %cond3A = arith.constant 0 : i32
    %cond3A_6 = arith.cmpi ne, %convert_element_type3A, %cond3A : i32
    scf.if %cond3A_6 {
      %scan3A_26 = arith.constant 0 : i32
      %scan3A_27 = arith.constant 25 : i32
      %scan3A_28 = arith.addi %scan3A_26, %scan3A_27 : i32
      %scan3A_29 = arith.constant 1 : i32
      scf.for %scan3A_31 = %scan3A_26 to %scan3A_28 step %scan3A_29  : i32 {
        %mul3A_32 = arith.constant 1 : i32
        %mul3A_33 = arith.muli %scan3A_31, %mul3A_32 : i32
        %add3A_34 = arith.constant 0 : i32
        %add3A_35 = arith.addi %add3A_34, %mul3A_33 : i32
        %mul3A_36 = arith.constant 1000 : i32
        %mul3A_37 = arith.muli %arg1, %mul3A_36 : i32
        %mul3A_38 = arith.constant 40 : i32
        %mul3A_39 = arith.muli %add3A_35, %mul3A_38 : i32
        %add3A_40 = arith.addi %mul3A_37, %mul3A_39 : i32
        %multiple_of3A_41 = tpu.assume_multiple %add3A_40, 8 : i32
        "tpu.region"() ({
          %run_scoped3A = tpu.sem_alloc : memref<!tpu.dma_semaphore, #tpu.memory_space<semaphore_mem>>
          %dma_start3A_42 = arith.constant 0 : i32
          %dma_start3A_43 = tpu.memref_slice %arg13[%multiple_of3A_41, %dma_start3A_42] : memref<10000x128xf32, #tpu.memory_space<vmem_shared>> -> memref<40x128xf32, #tpu.memory_space<vmem_shared>>
          %dma_start3A_44 = arith.constant 0 : i32
          %dma_start3A_45 = tpu.memref_slice %arg13[%multiple_of3A_41, %dma_start3A_44] : memref<10000x128xf32, #tpu.memory_space<vmem_shared>> -> memref<40x128xf32, #tpu.memory_space<vmem_shared>>
          tpu.enqueue_dma source(%arg12 : memref<40x128xf32, #tpu.memory_space<vmem>>) target(%dma_start3A_45 : memref<40x128xf32, #tpu.memory_space<vmem_shared>>) target_semaphore(%run_scoped3A : memref<!tpu.dma_semaphore, #tpu.memory_space<semaphore_mem>>)
          %dma_wait3A_46 = arith.constant 0 : i32
          %dma_wait3A_47 = tpu.memref_slice %arg13[%multiple_of3A_41, %dma_wait3A_46] : memref<10000x128xf32, #tpu.memory_space<vmem_shared>> -> memref<40x128xf32, #tpu.memory_space<vmem_shared>>
          %dma_wait3A_48 = arith.constant 0 : i32
          %dma_wait3A_49 = tpu.memref_slice %arg13[%multiple_of3A_41, %dma_wait3A_48] : memref<10000x128xf32, #tpu.memory_space<vmem_shared>> -> memref<40x128xf32, #tpu.memory_space<vmem_shared>>
          tpu.wait_dma2 semaphore(%run_scoped3A : memref<!tpu.dma_semaphore, #tpu.memory_space<semaphore_mem>>) src(%arg12 : memref<40x128xf32, #tpu.memory_space<vmem>>) dst(%dma_wait3A_49 : memref<40x128xf32, #tpu.memory_space<vmem_shared>>)
          tpu.yield
        }) : () -> ()
      }
      %scan3A_30 = arith.constant 25 : i32
    } else {
    }
    %barrier3A = arith.constant 0 : index
    tpu.barrier barrier_id(%barrier3A)
    %scan3A_7 = arith.constant 0 : i32
    %scan3A_8 = arith.constant 62 : i32
    %scan3A_9 = arith.addi %scan3A_7, %scan3A_8 : i32
    %scan3A_10 = arith.constant 1 : i32
    scf.for %scan3A_26 = %scan3A_7 to %scan3A_9 step %scan3A_10  : i32 {
      %mul3A_27 = arith.constant 2 : i32
      %mul3A_28 = arith.muli %scan3A_26, %mul3A_27 : i32
      %add3A_29 = arith.constant 0 : i32
      %add3A_30 = arith.addi %add3A_29, %mul3A_28 : i32
      %mul3A_31 = arith.constant 10000 : i32
      %mul3A_32 = arith.muli %add3A, %mul3A_31 : i32
      %mul3A_33 = arith.constant 80 : i32
      %mul3A_34 = arith.muli %add3A_30, %mul3A_33 : i32
      %add3A_35 = arith.addi %mul3A_32, %mul3A_34 : i32
      %multiple_of3A_36 = tpu.assume_multiple %add3A_35, 80 : i32
      %mul3A_37 = arith.constant 10000 : i32
      %mul3A_38 = arith.muli %add3A, %mul3A_37 : i32
      %add3A_39 = arith.constant 1 : i32
      %add3A_40 = arith.addi %add3A_30, %add3A_39 : i32
      %mul3A_41 = arith.constant 80 : i32
      %mul3A_42 = arith.muli %add3A_40, %mul3A_41 : i32
      %add3A_43 = arith.addi %mul3A_38, %mul3A_42 : i32
      %multiple_of3A_44 = tpu.assume_multiple %add3A_43, 80 : i32
      "tpu.region"() ({
        %run_scoped3A = tpu.sem_alloc : memref<!tpu.dma_semaphore, #tpu.memory_space<semaphore_mem>>
        %dma_start3A_57 = tpu.memref_slice %arg2[%multiple_of3A_36] : memref<320000xi32, #tpu.memory_space<hbm>> -> memref<80xi32, #tpu.memory_space<hbm>>
        %dma_start3A_58 = tpu.memref_slice %arg2[%multiple_of3A_36] : memref<320000xi32, #tpu.memory_space<hbm>> -> memref<80xi32, #tpu.memory_space<hbm>>
        tpu.enqueue_dma source(%dma_start3A_58 : memref<80xi32, #tpu.memory_space<hbm>>) target(%arg6 : memref<80xi32, #tpu.memory_space<vmem>>) target_semaphore(%run_scoped3A : memref<!tpu.dma_semaphore, #tpu.memory_space<semaphore_mem>>)
        %dma_wait3A_59 = tpu.memref_slice %arg2[%multiple_of3A_36] : memref<320000xi32, #tpu.memory_space<hbm>> -> memref<80xi32, #tpu.memory_space<hbm>>
        %dma_wait3A_60 = tpu.memref_slice %arg2[%multiple_of3A_36] : memref<320000xi32, #tpu.memory_space<hbm>> -> memref<80xi32, #tpu.memory_space<hbm>>
        tpu.wait_dma2 semaphore(%run_scoped3A : memref<!tpu.dma_semaphore, #tpu.memory_space<semaphore_mem>>) src(%dma_wait3A_60 : memref<80xi32, #tpu.memory_space<hbm>>) dst(%arg6 : memref<80xi32, #tpu.memory_space<vmem>>)
        tpu.yield
      }) : () -> ()
      "tpu.region"() ({
        %run_scoped3A = tpu.sem_alloc : memref<!tpu.dma_semaphore, #tpu.memory_space<semaphore_mem>>
        %dma_start3A_57 = tpu.memref_slice %arg3[%multiple_of3A_36] : memref<320000xi32, #tpu.memory_space<hbm>> -> memref<80xi32, #tpu.memory_space<hbm>>
        %dma_start3A_58 = tpu.memref_slice %arg3[%multiple_of3A_36] : memref<320000xi32, #tpu.memory_space<hbm>> -> memref<80xi32, #tpu.memory_space<hbm>>
        tpu.enqueue_dma source(%dma_start3A_58 : memref<80xi32, #tpu.memory_space<hbm>>) target(%arg8 : memref<80xi32, #tpu.memory_space<vmem>>) target_semaphore(%run_scoped3A : memref<!tpu.dma_semaphore, #tpu.memory_space<semaphore_mem>>)
        %dma_wait3A_59 = tpu.memref_slice %arg3[%multiple_of3A_36] : memref<320000xi32, #tpu.memory_space<hbm>> -> memref<80xi32, #tpu.memory_space<hbm>>
        %dma_wait3A_60 = tpu.memref_slice %arg3[%multiple_of3A_36] : memref<320000xi32, #tpu.memory_space<hbm>> -> memref<80xi32, #tpu.memory_space<hbm>>
        tpu.wait_dma2 semaphore(%run_scoped3A : memref<!tpu.dma_semaphore, #tpu.memory_space<semaphore_mem>>) src(%dma_wait3A_60 : memref<80xi32, #tpu.memory_space<hbm>>) dst(%arg8 : memref<80xi32, #tpu.memory_space<vmem>>)
        tpu.yield
      }) : () -> ()
      "tpu.region"() ({
        %run_scoped3A = tpu.sem_alloc : memref<!tpu.dma_semaphore, #tpu.memory_space<semaphore_mem>>
        %dma_start3A_57 = tpu.memref_slice %arg2[%multiple_of3A_44] : memref<320000xi32, #tpu.memory_space<hbm>> -> memref<80xi32, #tpu.memory_space<hbm>>
        %dma_start3A_58 = tpu.memref_slice %arg2[%multiple_of3A_44] : memref<320000xi32, #tpu.memory_space<hbm>> -> memref<80xi32, #tpu.memory_space<hbm>>
        tpu.enqueue_dma source(%dma_start3A_58 : memref<80xi32, #tpu.memory_space<hbm>>) target(%arg7 : memref<80xi32, #tpu.memory_space<vmem>>) target_semaphore(%run_scoped3A : memref<!tpu.dma_semaphore, #tpu.memory_space<semaphore_mem>>)
        %dma_wait3A_59 = tpu.memref_slice %arg2[%multiple_of3A_44] : memref<320000xi32, #tpu.memory_space<hbm>> -> memref<80xi32, #tpu.memory_space<hbm>>
        %dma_wait3A_60 = tpu.memref_slice %arg2[%multiple_of3A_44] : memref<320000xi32, #tpu.memory_space<hbm>> -> memref<80xi32, #tpu.memory_space<hbm>>
        tpu.wait_dma2 semaphore(%run_scoped3A : memref<!tpu.dma_semaphore, #tpu.memory_space<semaphore_mem>>) src(%dma_wait3A_60 : memref<80xi32, #tpu.memory_space<hbm>>) dst(%arg7 : memref<80xi32, #tpu.memory_space<vmem>>)
        tpu.yield
      }) : () -> ()
      "tpu.region"() ({
        %run_scoped3A = tpu.sem_alloc : memref<!tpu.dma_semaphore, #tpu.memory_space<semaphore_mem>>
        %dma_start3A_57 = tpu.memref_slice %arg3[%multiple_of3A_44] : memref<320000xi32, #tpu.memory_space<hbm>> -> memref<80xi32, #tpu.memory_space<hbm>>
        %dma_start3A_58 = tpu.memref_slice %arg3[%multiple_of3A_44] : memref<320000xi32, #tpu.memory_space<hbm>> -> memref<80xi32, #tpu.memory_space<hbm>>
        tpu.enqueue_dma source(%dma_start3A_58 : memref<80xi32, #tpu.memory_space<hbm>>) target(%arg9 : memref<80xi32, #tpu.memory_space<vmem>>) target_semaphore(%run_scoped3A : memref<!tpu.dma_semaphore, #tpu.memory_space<semaphore_mem>>)
        %dma_wait3A_59 = tpu.memref_slice %arg3[%multiple_of3A_44] : memref<320000xi32, #tpu.memory_space<hbm>> -> memref<80xi32, #tpu.memory_space<hbm>>
        %dma_wait3A_60 = tpu.memref_slice %arg3[%multiple_of3A_44] : memref<320000xi32, #tpu.memory_space<hbm>> -> memref<80xi32, #tpu.memory_space<hbm>>
        tpu.wait_dma2 semaphore(%run_scoped3A : memref<!tpu.dma_semaphore, #tpu.memory_space<semaphore_mem>>) src(%dma_wait3A_60 : memref<80xi32, #tpu.memory_space<hbm>>) dst(%arg9 : memref<80xi32, #tpu.memory_space<vmem>>)
        tpu.yield
      }) : () -> ()
      %dma_start3A_45 = arith.constant 0 : i32
      %dma_start3A_46 = arith.constant 0 : i32
      %dma_start3A_47 = tpu.memref_slice %arg4[%dma_start3A_45, %dma_start3A_46] : memref<10000x128xf32, #tpu.memory_space<hbm>> -> memref<10000x128xf32, #tpu.memory_space<hbm>>
      tpu.enqueue_indirect_dma source(%dma_start3A_47 : memref<10000x128xf32, #tpu.memory_space<hbm>>) target(%arg10 : memref<80x128xf32, #tpu.memory_space<vmem>>) offsets(%arg6 : memref<80xi32, #tpu.memory_space<vmem>>) semaphore(%arg14 : memref<!tpu.dma_semaphore, #tpu.memory_space<semaphore_mem>>)
      %dma_start3A_48 = arith.constant 0 : i32
      %dma_start3A_49 = arith.constant 0 : i32
      %dma_start3A_50 = tpu.memref_slice %arg4[%dma_start3A_48, %dma_start3A_49] : memref<10000x128xf32, #tpu.memory_space<hbm>> -> memref<10000x128xf32, #tpu.memory_space<hbm>>
      tpu.enqueue_indirect_dma source(%dma_start3A_50 : memref<10000x128xf32, #tpu.memory_space<hbm>>) target(%arg11 : memref<80x128xf32, #tpu.memory_space<vmem>>) offsets(%arg7 : memref<80xi32, #tpu.memory_space<vmem>>) semaphore(%arg15 : memref<!tpu.dma_semaphore, #tpu.memory_space<semaphore_mem>>)
      %dma_wait3A_51 = arith.constant 0 : i32
      %dma_wait3A_52 = arith.constant 0 : i32
      %dma_wait3A_53 = tpu.memref_slice %arg4[%dma_wait3A_51, %dma_wait3A_52] : memref<10000x128xf32, #tpu.memory_space<hbm>> -> memref<10000x128xf32, #tpu.memory_space<hbm>>
      tpu.wait_indirect_dma semaphore(%arg14 : memref<!tpu.dma_semaphore, #tpu.memory_space<semaphore_mem>>) src(%dma_wait3A_53 : memref<10000x128xf32, #tpu.memory_space<hbm>>) dst(%arg10 : memref<80x128xf32, #tpu.memory_space<vmem>>)
      "tpu.region"() ({
        %run_scoped3A = tpu.sem_alloc : memref<!tpu.dma_semaphore, #tpu.memory_space<semaphore_mem>>
        %dma_start3A_57 = arith.constant 0 : i32
        %dma_start3A_58 = arith.constant 0 : i32
        %dma_start3A_59 = tpu.memref_slice %arg13[%dma_start3A_57, %dma_start3A_58] : memref<10000x128xf32, #tpu.memory_space<vmem_shared>> -> memref<10000x128xf32, #tpu.memory_space<vmem_shared>>
        tpu.enqueue_indirect_dma source(%arg10 : memref<80x128xf32, #tpu.memory_space<vmem>>) target(%dma_start3A_59 : memref<10000x128xf32, #tpu.memory_space<vmem_shared>>) offsets(%arg8 : memref<80xi32, #tpu.memory_space<vmem>>) semaphore(%run_scoped3A : memref<!tpu.dma_semaphore, #tpu.memory_space<semaphore_mem>>) {add = true}
        %dma_wait3A_60 = arith.constant 0 : i32
        %dma_wait3A_61 = arith.constant 0 : i32
        %dma_wait3A_62 = tpu.memref_slice %arg13[%dma_wait3A_60, %dma_wait3A_61] : memref<10000x128xf32, #tpu.memory_space<vmem_shared>> -> memref<10000x128xf32, #tpu.memory_space<vmem_shared>>
        tpu.wait_indirect_dma semaphore(%run_scoped3A : memref<!tpu.dma_semaphore, #tpu.memory_space<semaphore_mem>>) src(%arg10 : memref<80x128xf32, #tpu.memory_space<vmem>>) dst(%dma_wait3A_62 : memref<10000x128xf32, #tpu.memory_space<vmem_shared>>)
        tpu.yield
      }) : () -> ()
      %dma_wait3A_54 = arith.constant 0 : i32
      %dma_wait3A_55 = arith.constant 0 : i32
      %dma_wait3A_56 = tpu.memref_slice %arg4[%dma_wait3A_54, %dma_wait3A_55] : memref<10000x128xf32, #tpu.memory_space<hbm>> -> memref<10000x128xf32, #tpu.memory_space<hbm>>
      tpu.wait_indirect_dma semaphore(%arg15 : memref<!tpu.dma_semaphore, #tpu.memory_space<semaphore_mem>>) src(%dma_wait3A_56 : memref<10000x128xf32, #tpu.memory_space<hbm>>) dst(%arg11 : memref<80x128xf32, #tpu.memory_space<vmem>>)
      "tpu.region"() ({
        %run_scoped3A = tpu.sem_alloc : memref<!tpu.dma_semaphore, #tpu.memory_space<semaphore_mem>>
        %dma_start3A_57 = arith.constant 0 : i32
        %dma_start3A_58 = arith.constant 0 : i32
        %dma_start3A_59 = tpu.memref_slice %arg13[%dma_start3A_57, %dma_start3A_58] : memref<10000x128xf32, #tpu.memory_space<vmem_shared>> -> memref<10000x128xf32, #tpu.memory_space<vmem_shared>>
        tpu.enqueue_indirect_dma source(%arg11 : memref<80x128xf32, #tpu.memory_space<vmem>>) target(%dma_start3A_59 : memref<10000x128xf32, #tpu.memory_space<vmem_shared>>) offsets(%arg9 : memref<80xi32, #tpu.memory_space<vmem>>) semaphore(%run_scoped3A : memref<!tpu.dma_semaphore, #tpu.memory_space<semaphore_mem>>) {add = true}
        %dma_wait3A_60 = arith.constant 0 : i32
        %dma_wait3A_61 = arith.constant 0 : i32
        %dma_wait3A_62 = tpu.memref_slice %arg13[%dma_wait3A_60, %dma_wait3A_61] : memref<10000x128xf32, #tpu.memory_space<vmem_shared>> -> memref<10000x128xf32, #tpu.memory_space<vmem_shared>>
        tpu.wait_indirect_dma semaphore(%run_scoped3A : memref<!tpu.dma_semaphore, #tpu.memory_space<semaphore_mem>>) src(%arg11 : memref<80x128xf32, #tpu.memory_space<vmem>>) dst(%dma_wait3A_62 : memref<10000x128xf32, #tpu.memory_space<vmem_shared>>)
        tpu.yield
      }) : () -> ()
    }
    %scan3A_11 = arith.constant 62 : i32
    %mul3A_12 = arith.constant 10000 : i32
    %mul3A_13 = arith.muli %add3A, %mul3A_12 : i32
    %add3A_14 = arith.constant 9920 : i32
    %add3A_15 = arith.addi %mul3A_13, %add3A_14 : i32
    %multiple_of3A = tpu.assume_multiple %add3A_15, 80 : i32
    "tpu.region"() ({
      %run_scoped3A = tpu.sem_alloc : memref<!tpu.dma_semaphore, #tpu.memory_space<semaphore_mem>>
      %dma_start3A_26 = tpu.memref_slice %arg2[%multiple_of3A] : memref<320000xi32, #tpu.memory_space<hbm>> -> memref<80xi32, #tpu.memory_space<hbm>>
      %dma_start3A_27 = tpu.memref_slice %arg2[%multiple_of3A] : memref<320000xi32, #tpu.memory_space<hbm>> -> memref<80xi32, #tpu.memory_space<hbm>>
      tpu.enqueue_dma source(%dma_start3A_27 : memref<80xi32, #tpu.memory_space<hbm>>) target(%arg6 : memref<80xi32, #tpu.memory_space<vmem>>) target_semaphore(%run_scoped3A : memref<!tpu.dma_semaphore, #tpu.memory_space<semaphore_mem>>)
      %dma_wait3A_28 = tpu.memref_slice %arg2[%multiple_of3A] : memref<320000xi32, #tpu.memory_space<hbm>> -> memref<80xi32, #tpu.memory_space<hbm>>
      %dma_wait3A_29 = tpu.memref_slice %arg2[%multiple_of3A] : memref<320000xi32, #tpu.memory_space<hbm>> -> memref<80xi32, #tpu.memory_space<hbm>>
      tpu.wait_dma2 semaphore(%run_scoped3A : memref<!tpu.dma_semaphore, #tpu.memory_space<semaphore_mem>>) src(%dma_wait3A_29 : memref<80xi32, #tpu.memory_space<hbm>>) dst(%arg6 : memref<80xi32, #tpu.memory_space<vmem>>)
      tpu.yield
    }) : () -> ()
    "tpu.region"() ({
      %run_scoped3A = tpu.sem_alloc : memref<!tpu.dma_semaphore, #tpu.memory_space<semaphore_mem>>
      %dma_start3A_26 = tpu.memref_slice %arg3[%multiple_of3A] : memref<320000xi32, #tpu.memory_space<hbm>> -> memref<80xi32, #tpu.memory_space<hbm>>
      %dma_start3A_27 = tpu.memref_slice %arg3[%multiple_of3A] : memref<320000xi32, #tpu.memory_space<hbm>> -> memref<80xi32, #tpu.memory_space<hbm>>
      tpu.enqueue_dma source(%dma_start3A_27 : memref<80xi32, #tpu.memory_space<hbm>>) target(%arg8 : memref<80xi32, #tpu.memory_space<vmem>>) target_semaphore(%run_scoped3A : memref<!tpu.dma_semaphore, #tpu.memory_space<semaphore_mem>>)
      %dma_wait3A_28 = tpu.memref_slice %arg3[%multiple_of3A] : memref<320000xi32, #tpu.memory_space<hbm>> -> memref<80xi32, #tpu.memory_space<hbm>>
      %dma_wait3A_29 = tpu.memref_slice %arg3[%multiple_of3A] : memref<320000xi32, #tpu.memory_space<hbm>> -> memref<80xi32, #tpu.memory_space<hbm>>
      tpu.wait_dma2 semaphore(%run_scoped3A : memref<!tpu.dma_semaphore, #tpu.memory_space<semaphore_mem>>) src(%dma_wait3A_29 : memref<80xi32, #tpu.memory_space<hbm>>) dst(%arg8 : memref<80xi32, #tpu.memory_space<vmem>>)
      tpu.yield
    }) : () -> ()
    %dma_start3A = arith.constant 0 : i32
    %dma_start3A_16 = arith.constant 0 : i32
    %dma_start3A_17 = tpu.memref_slice %arg4[%dma_start3A, %dma_start3A_16] : memref<10000x128xf32, #tpu.memory_space<hbm>> -> memref<10000x128xf32, #tpu.memory_space<hbm>>
    tpu.enqueue_indirect_dma source(%dma_start3A_17 : memref<10000x128xf32, #tpu.memory_space<hbm>>) target(%arg10 : memref<80x128xf32, #tpu.memory_space<vmem>>) offsets(%arg6 : memref<80xi32, #tpu.memory_space<vmem>>) semaphore(%arg14 : memref<!tpu.dma_semaphore, #tpu.memory_space<semaphore_mem>>)
    %dma_wait3A = arith.constant 0 : i32
    %dma_wait3A_18 = arith.constant 0 : i32
    %dma_wait3A_19 = tpu.memref_slice %arg4[%dma_wait3A, %dma_wait3A_18] : memref<10000x128xf32, #tpu.memory_space<hbm>> -> memref<10000x128xf32, #tpu.memory_space<hbm>>
    tpu.wait_indirect_dma semaphore(%arg14 : memref<!tpu.dma_semaphore, #tpu.memory_space<semaphore_mem>>) src(%dma_wait3A_19 : memref<10000x128xf32, #tpu.memory_space<hbm>>) dst(%arg10 : memref<80x128xf32, #tpu.memory_space<vmem>>)
    "tpu.region"() ({
      %run_scoped3A = tpu.sem_alloc : memref<!tpu.dma_semaphore, #tpu.memory_space<semaphore_mem>>
      %dma_start3A_26 = arith.constant 0 : i32
      %dma_start3A_27 = arith.constant 0 : i32
      %dma_start3A_28 = tpu.memref_slice %arg13[%dma_start3A_26, %dma_start3A_27] : memref<10000x128xf32, #tpu.memory_space<vmem_shared>> -> memref<10000x128xf32, #tpu.memory_space<vmem_shared>>
      tpu.enqueue_indirect_dma source(%arg10 : memref<80x128xf32, #tpu.memory_space<vmem>>) target(%dma_start3A_28 : memref<10000x128xf32, #tpu.memory_space<vmem_shared>>) offsets(%arg8 : memref<80xi32, #tpu.memory_space<vmem>>) semaphore(%run_scoped3A : memref<!tpu.dma_semaphore, #tpu.memory_space<semaphore_mem>>) {add = true}
      %dma_wait3A_29 = arith.constant 0 : i32
      %dma_wait3A_30 = arith.constant 0 : i32
      %dma_wait3A_31 = tpu.memref_slice %arg13[%dma_wait3A_29, %dma_wait3A_30] : memref<10000x128xf32, #tpu.memory_space<vmem_shared>> -> memref<10000x128xf32, #tpu.memory_space<vmem_shared>>
      tpu.wait_indirect_dma semaphore(%run_scoped3A : memref<!tpu.dma_semaphore, #tpu.memory_space<semaphore_mem>>) src(%arg10 : memref<80x128xf32, #tpu.memory_space<vmem>>) dst(%dma_wait3A_31 : memref<10000x128xf32, #tpu.memory_space<vmem_shared>>)
      tpu.yield
    }) : () -> ()
    %barrier3A_20 = arith.constant 0 : index
    tpu.barrier barrier_id(%barrier3A_20)
    %lt3A_21 = arith.constant 10 : i32
    %lt3A_22 = arith.cmpi slt, %arg1, %lt3A_21 : i32
    %convert_element_type3A_23 = arith.extui %lt3A_22 : i1 to i32
    %cond3A_24 = arith.constant 0 : i32
    %cond3A_25 = arith.cmpi ne, %convert_element_type3A_23, %cond3A_24 : i32
    scf.if %cond3A_25 {
      %mul3A_26 = arith.constant 1000 : i32
      %mul3A_27 = arith.muli %arg1, %mul3A_26 : i32
      %multiple_of3A_28 = tpu.assume_multiple %mul3A_27, 8 : i32
      "tpu.region"() ({
        %run_scoped3A = tpu.sem_alloc : memref<!tpu.dma_semaphore, #tpu.memory_space<semaphore_mem>>
        %dma_start3A_29 = arith.constant 0 : i32
        %dma_start3A_30 = tpu.memref_slice %arg5[%arg0, %multiple_of3A_28, %dma_start3A_29] : memref<2x10000x128xf32, #tpu.memory_space<hbm>> -> memref<1x1000x128xf32, #tpu.memory_space<hbm>>
        %dma_start3A_31 = tpu.memref_squeeze %dma_start3A_30 : memref<1x1000x128xf32, #tpu.memory_space<hbm>> -> memref<1000x128xf32, #tpu.memory_space<hbm>>
        %dma_start3A_32 = arith.constant 0 : i32
        %dma_start3A_33 = tpu.memref_slice %arg13[%multiple_of3A_28, %dma_start3A_32] : memref<10000x128xf32, #tpu.memory_space<vmem_shared>> -> memref<1000x128xf32, #tpu.memory_space<vmem_shared>>
        tpu.enqueue_dma source(%dma_start3A_33 : memref<1000x128xf32, #tpu.memory_space<vmem_shared>>) target(%dma_start3A_31 : memref<1000x128xf32, #tpu.memory_space<hbm>>) target_semaphore(%run_scoped3A : memref<!tpu.dma_semaphore, #tpu.memory_space<semaphore_mem>>)
        %dma_wait3A_34 = arith.constant 0 : i32
        %dma_wait3A_35 = tpu.memref_slice %arg5[%arg0, %multiple_of3A_28, %dma_wait3A_34] : memref<2x10000x128xf32, #tpu.memory_space<hbm>> -> memref<1x1000x128xf32, #tpu.memory_space<hbm>>
        %dma_wait3A_36 = tpu.memref_squeeze %dma_wait3A_35 : memref<1x1000x128xf32, #tpu.memory_space<hbm>> -> memref<1000x128xf32, #tpu.memory_space<hbm>>
        %dma_wait3A_37 = arith.constant 0 : i32
        %dma_wait3A_38 = tpu.memref_slice %arg13[%multiple_of3A_28, %dma_wait3A_37] : memref<10000x128xf32, #tpu.memory_space<vmem_shared>> -> memref<1000x128xf32, #tpu.memory_space<vmem_shared>>
        tpu.wait_dma2 semaphore(%run_scoped3A : memref<!tpu.dma_semaphore, #tpu.memory_space<semaphore_mem>>) src(%dma_wait3A_38 : memref<1000x128xf32, #tpu.memory_space<vmem_shared>>) dst(%dma_wait3A_36 : memref<1000x128xf32, #tpu.memory_space<hbm>>)
        tpu.yield
      }) : () -> ()
    } else {
    }
    return
  }
}

module attributes {stable_mosaic.version = 14 : i64} {
  func.func @body(%arg0: i32, %arg1: memref<1000x128xf32, #tpu.memory_space<vmem>>, %arg2: memref<1000x16xf32, #tpu.memory_space<vmem>>, %arg3: memref<1000x16xf32, #tpu.memory_space<vmem>>, %arg4: memref<1000x128xf32, #tpu.memory_space<vmem>>) attributes {dimension_semantics = [#tpu.dimension_semantics<arbitrary>], iteration_bounds = array<i64: 10>, scalar_prefetch = 0 : i64, scratch_operands = 0 : i64, tpu.core_type = #tpu.core_type<tc>, window_params = [{transform_indices = @transform_0, window_bounds = array<i64: 1000, 128>}, {transform_indices = @transform_1, window_bounds = array<i64: 1000, 16>}, {transform_indices = @transform_2, window_bounds = array<i64: 1000, 16>}, {transform_indices = @transform_3, window_bounds = array<i64: 1000, 128>}]} {
    %get3A = arith.constant 0 : index
    %get3A_0 = arith.constant 0 : index
    %get3A_1 = vector.load %arg2[%get3A, %get3A_0] : memref<1000x16xf32, #tpu.memory_space<vmem>>, vector<1000x16xf32>
    %slice3A = vector.extract_strided_slice %get3A_1 {offsets = [0, 0], sizes = [1000, 1], strides = [1, 1]} : vector<1000x16xf32> to vector<1000x1xf32>
    %get3A_2 = arith.constant 0 : index
    %get3A_3 = arith.constant 0 : index
    %get3A_4 = vector.load %arg3[%get3A_2, %get3A_3] : memref<1000x16xf32, #tpu.memory_space<vmem>>, vector<1000x16xf32>
    %slice3A_5 = vector.extract_strided_slice %get3A_4 {offsets = [0, 0], sizes = [1000, 1], strides = [1, 1]} : vector<1000x16xf32> to vector<1000x1xf32>
    %add3A = arith.addf %slice3A, %slice3A_5 : vector<1000x1xf32>
    %add3A_6 = arith.constant 1.000000e+00 : f32
    %add3A_7 = vector.broadcast %add3A_6 : f32 to vector<1000x1xf32>
    %add3A_8 = arith.addf %add3A, %add3A_7 : vector<1000x1xf32>
    %get3A_9 = arith.constant 0 : index
    %get3A_10 = arith.constant 0 : index
    %get3A_11 = vector.load %arg1[%get3A_9, %get3A_10] : memref<1000x128xf32, #tpu.memory_space<vmem>>, vector<1000x128xf32>
    %rsqrt3A = math.rsqrt %add3A_8 : vector<1000x1xf32>
    %mul3A = vector.broadcast %rsqrt3A : vector<1000x1xf32> to vector<1000x128xf32>
    %mul3A_12 = arith.mulf %get3A_11, %mul3A : vector<1000x128xf32>
    %swap3A = arith.constant 0 : index
    %swap3A_13 = arith.constant 0 : index
    %swap3A_14 = vector.load %arg4[%swap3A, %swap3A_13] : memref<1000x128xf32, #tpu.memory_space<vmem>>, vector<1000x128xf32>
    tpu.vector_store %arg4[%swap3A, %swap3A_13], %mul3A_12 {strides = array<i32>} : memref<1000x128xf32, #tpu.memory_space<vmem>>, vector<1000x128xf32>,
    return
  }
  func.func @transform_0(%arg0: i32) -> (i32, i32) {
    %c0_i32 = arith.constant 0 : i32
    %c0_i32_0 = arith.constant 0 : i32
    return %arg0, %c0_i32 : i32, i32
  }
  func.func @transform_1(%arg0: i32) -> (i32, i32) {
    %c0_i32 = arith.constant 0 : i32
    %c0_i32_0 = arith.constant 0 : i32
    return %arg0, %c0_i32 : i32, i32
  }
  func.func @transform_2(%arg0: i32) -> (i32, i32) {
    %c0_i32 = arith.constant 0 : i32
    %c0_i32_0 = arith.constant 0 : i32
    return %arg0, %c0_i32 : i32, i32
  }
  func.func @transform_3(%arg0: i32) -> (i32, i32) {
    %c0_i32 = arith.constant 0 : i32
    %c0_i32_0 = arith.constant 0 : i32
    return %arg0, %c0_i32 : i32, i32
  }
}

module attributes {stable_mosaic.version = 14 : i64} {
  func.func @body(%arg0: i32, %arg1: memref<1000x128xf32, #tpu.memory_space<vmem>>, %arg2: memref<128x128xf32, #tpu.memory_space<vmem>>, %arg3: memref<1x128xf32, #tpu.memory_space<vmem>>, %arg4: memref<128x128xf32, #tpu.memory_space<vmem>>, %arg5: memref<1x128xf32, #tpu.memory_space<vmem>>, %arg6: memref<128x128xf32, #tpu.memory_space<vmem>>, %arg7: memref<1000x128xf32, #tpu.memory_space<vmem>>, %arg8: memref<1000x128xf32, #tpu.memory_space<vmem>>) attributes {dimension_semantics = [#tpu.dimension_semantics<arbitrary>], iteration_bounds = array<i64: 10>, scalar_prefetch = 0 : i64, scratch_operands = 0 : i64, tpu.core_type = #tpu.core_type<tc>, window_params = [{transform_indices = @transform_0, window_bounds = array<i64: 1000, 128>}, {pipeline_mode = #tpu.pipeline_mode<synchronous>, transform_indices = @transform_1, window_bounds = array<i64: 128, 128>}, {pipeline_mode = #tpu.pipeline_mode<synchronous>, transform_indices = @transform_2, window_bounds = array<i64: 1, 128>}, {pipeline_mode = #tpu.pipeline_mode<synchronous>, transform_indices = @transform_3, window_bounds = array<i64: 128, 128>}, {pipeline_mode = #tpu.pipeline_mode<synchronous>, transform_indices = @transform_4, window_bounds = array<i64: 1, 128>}, {pipeline_mode = #tpu.pipeline_mode<synchronous>, transform_indices = @transform_5, window_bounds = array<i64: 128, 128>}, {transform_indices = @transform_6, window_bounds = array<i64: 1000, 128>}, {transform_indices = @transform_7, window_bounds = array<i64: 1000, 128>}]} {
    %get3A = arith.constant 0 : index
    %get3A_0 = arith.constant 0 : index
    %get3A_1 = vector.load %arg1[%get3A, %get3A_0] : memref<1000x128xf32, #tpu.memory_space<vmem>>, vector<1000x128xf32>
    %get3A_2 = arith.constant 0 : index
    %get3A_3 = arith.constant 0 : index
    %get3A_4 = vector.load %arg2[%get3A_2, %get3A_3] : memref<128x128xf32, #tpu.memory_space<vmem>>, vector<128x128xf32>
    %dot_general3A = arith.constant dense<0.000000e+00> : vector<1000x128xf32>
    %dot_general3A_5 = tpu.matmul %get3A_1, %get3A_4, %dot_general3A {dimension_numbers = #tpu.dot_dimension_numbers<[1], [0], [0], [1], [0, 0, 1, 1], [], []>, transpose_lhs_hint = false} : vector<1000x128xf32>, vector<128x128xf32>, vector<1000x128xf32> -> vector<1000x128xf32>
    %get3A_6 = arith.constant 0 : index
    %get3A_7 = arith.constant 0 : index
    %get3A_8 = vector.load %arg3[%get3A_6, %get3A_7] : memref<1x128xf32, #tpu.memory_space<vmem>>, vector<1x128xf32>
    %add3A = vector.broadcast %get3A_8 : vector<1x128xf32> to vector<1000x128xf32>
    %add3A_9 = arith.addf %dot_general3A_5, %add3A : vector<1000x128xf32>
    %max3A = arith.constant 0.000000e+00 : f32
    %max3A_10 = vector.broadcast %max3A : f32 to vector<1000x128xf32>
    %max3A_11 = arith.maximumf %add3A_9, %max3A_10 : vector<1000x128xf32>
    %get3A_12 = arith.constant 0 : index
    %get3A_13 = arith.constant 0 : index
    %get3A_14 = vector.load %arg4[%get3A_12, %get3A_13] : memref<128x128xf32, #tpu.memory_space<vmem>>, vector<128x128xf32>
    %dot_general3A_15 = arith.constant dense<0.000000e+00> : vector<1000x128xf32>
    %dot_general3A_16 = tpu.matmul %max3A_11, %get3A_14, %dot_general3A_15 {dimension_numbers = #tpu.dot_dimension_numbers<[1], [0], [0], [1], [0, 0, 1, 1], [], []>, transpose_lhs_hint = false} : vector<1000x128xf32>, vector<128x128xf32>, vector<1000x128xf32> -> vector<1000x128xf32>
    %get3A_17 = arith.constant 0 : index
    %get3A_18 = arith.constant 0 : index
    %get3A_19 = vector.load %arg5[%get3A_17, %get3A_18] : memref<1x128xf32, #tpu.memory_space<vmem>>, vector<1x128xf32>
    %add3A_20 = vector.broadcast %get3A_19 : vector<1x128xf32> to vector<1000x128xf32>
    %add3A_21 = arith.addf %dot_general3A_16, %add3A_20 : vector<1000x128xf32>
    %swap3A = arith.constant 0 : index
    %swap3A_22 = arith.constant 0 : index
    %swap3A_23 = vector.load %arg7[%swap3A, %swap3A_22] : memref<1000x128xf32, #tpu.memory_space<vmem>>, vector<1000x128xf32>
    tpu.vector_store %arg7[%swap3A, %swap3A_22], %add3A_21 {strides = array<i32>} : memref<1000x128xf32, #tpu.memory_space<vmem>>, vector<1000x128xf32>,
    %get3A_24 = arith.constant 0 : index
    %get3A_25 = arith.constant 0 : index
    %get3A_26 = vector.load %arg6[%get3A_24, %get3A_25] : memref<128x128xf32, #tpu.memory_space<vmem>>, vector<128x128xf32>
    %dot_general3A_27 = arith.constant dense<0.000000e+00> : vector<1000x128xf32>
    %dot_general3A_28 = tpu.matmul %get3A_1, %get3A_26, %dot_general3A_27 {dimension_numbers = #tpu.dot_dimension_numbers<[1], [0], [0], [1], [0, 0, 1, 1], [], []>, transpose_lhs_hint = false} : vector<1000x128xf32>, vector<128x128xf32>, vector<1000x128xf32> -> vector<1000x128xf32>
    %swap3A_29 = arith.constant 0 : index
    %swap3A_30 = arith.constant 0 : index
    %swap3A_31 = vector.load %arg8[%swap3A_29, %swap3A_30] : memref<1000x128xf32, #tpu.memory_space<vmem>>, vector<1000x128xf32>
    tpu.vector_store %arg8[%swap3A_29, %swap3A_30], %dot_general3A_28 {strides = array<i32>} : memref<1000x128xf32, #tpu.memory_space<vmem>>, vector<1000x128xf32>,
    return
  }
  func.func @transform_0(%arg0: i32) -> (i32, i32) {
    %c0_i32 = arith.constant 0 : i32
    %c0_i32_0 = arith.constant 0 : i32
    return %arg0, %c0_i32 : i32, i32
  }
  func.func @transform_1(%arg0: i32) -> (i32, i32) {
    %c0_i32 = arith.constant 0 : i32
    %c0_i32_0 = arith.constant 0 : i32
    %c0_i32_1 = arith.constant 0 : i32
    return %c0_i32, %c0_i32_0 : i32, i32
  }
  func.func @transform_2(%arg0: i32) -> (i32, i32) {
    %c0_i32 = arith.constant 0 : i32
    %c0_i32_0 = arith.constant 0 : i32
    %c0_i32_1 = arith.constant 0 : i32
    return %c0_i32, %c0_i32_0 : i32, i32
  }
  func.func @transform_3(%arg0: i32) -> (i32, i32) {
    %c0_i32 = arith.constant 0 : i32
    %c0_i32_0 = arith.constant 0 : i32
    %c0_i32_1 = arith.constant 0 : i32
    return %c0_i32, %c0_i32_0 : i32, i32
  }
  func.func @transform_4(%arg0: i32) -> (i32, i32) {
    %c0_i32 = arith.constant 0 : i32
    %c0_i32_0 = arith.constant 0 : i32
    %c0_i32_1 = arith.constant 0 : i32
    return %c0_i32, %c0_i32_0 : i32, i32
  }
  func.func @transform_5(%arg0: i32) -> (i32, i32) {
    %c0_i32 = arith.constant 0 : i32
    %c0_i32_0 = arith.constant 0 : i32
    %c0_i32_1 = arith.constant 0 : i32
    return %c0_i32, %c0_i32_0 : i32, i32
  }
  func.func @transform_6(%arg0: i32) -> (i32, i32) {
    %c0_i32 = arith.constant 0 : i32
    %c0_i32_0 = arith.constant 0 : i32
    return %arg0, %c0_i32 : i32, i32
  }
  func.func @transform_7(%arg0: i32) -> (i32, i32) {
    %c0_i32 = arith.constant 0 : i32
    %c0_i32_0 = arith.constant 0 : i32
    return %arg0, %c0_i32 : i32, i32
  }
}

module attributes {stable_mosaic.version = 14 : i64} {
  func.func @body(%arg0: i32, %arg1: memref<1000x128xf32, #tpu.memory_space<vmem>>, %arg2: memref<1000x128xf32, #tpu.memory_space<vmem>>, %arg3: memref<1000x128xf32, #tpu.memory_space<vmem>>, %arg4: memref<1000x16xf32, #tpu.memory_space<vmem>>, %arg5: memref<1000x16xf32, #tpu.memory_space<vmem>>, %arg6: memref<1000x128xf32, #tpu.memory_space<vmem>>, %arg7: memref<1x128xf32, #tpu.memory_space<vmem>>, %arg8: memref<128x128xf32, #tpu.memory_space<vmem>>, %arg9: memref<1x128xf32, #tpu.memory_space<vmem>>, %arg10: memref<128x128xf32, #tpu.memory_space<vmem>>, %arg11: memref<1x128xf32, #tpu.memory_space<vmem>>, %arg12: memref<128x128xf32, #tpu.memory_space<vmem>>, %arg13: memref<128x128xf32, #tpu.memory_space<vmem>>, %arg14: memref<1x128xf32, #tpu.memory_space<vmem>>, %arg15: memref<1000x128xf32, #tpu.memory_space<vmem>>) attributes {dimension_semantics = [#tpu.dimension_semantics<arbitrary>], iteration_bounds = array<i64: 10>, scalar_prefetch = 0 : i64, scratch_operands = 0 : i64, tpu.core_type = #tpu.core_type<tc>, window_params = [{transform_indices = @transform_0, window_bounds = array<i64: 1000, 128>}, {transform_indices = @transform_1, window_bounds = array<i64: 1000, 128>}, {transform_indices = @transform_2, window_bounds = array<i64: 1000, 128>}, {transform_indices = @transform_3, window_bounds = array<i64: 1000, 16>}, {transform_indices = @transform_4, window_bounds = array<i64: 1000, 16>}, {transform_indices = @transform_5, window_bounds = array<i64: 1000, 128>}, {pipeline_mode = #tpu.pipeline_mode<synchronous>, transform_indices = @transform_6, window_bounds = array<i64: 1, 128>}, {pipeline_mode = #tpu.pipeline_mode<synchronous>, transform_indices = @transform_7, window_bounds = array<i64: 128, 128>}, {pipeline_mode = #tpu.pipeline_mode<synchronous>, transform_indices = @transform_8, window_bounds = array<i64: 1, 128>}, {pipeline_mode = #tpu.pipeline_mode<synchronous>, transform_indices = @transform_9, window_bounds = array<i64: 128, 128>}, {pipeline_mode = #tpu.pipeline_mode<synchronous>, transform_indices = @transform_10, window_bounds = array<i64: 1, 128>}, {pipeline_mode = #tpu.pipeline_mode<synchronous>, transform_indices = @transform_11, window_bounds = array<i64: 128, 128>}, {pipeline_mode = #tpu.pipeline_mode<synchronous>, transform_indices = @transform_12, window_bounds = array<i64: 128, 128>}, {pipeline_mode = #tpu.pipeline_mode<synchronous>, transform_indices = @transform_13, window_bounds = array<i64: 1, 128>}, {transform_indices = @transform_14, window_bounds = array<i64: 1000, 128>}]} {
    %get3A = arith.constant 0 : index
    %get3A_0 = arith.constant 0 : index
    %get3A_1 = vector.load %arg4[%get3A, %get3A_0] : memref<1000x16xf32, #tpu.memory_space<vmem>>, vector<1000x16xf32>
    %slice3A = vector.extract_strided_slice %get3A_1 {offsets = [0, 0], sizes = [1000, 1], strides = [1, 1]} : vector<1000x16xf32> to vector<1000x1xf32>
    %get3A_2 = arith.constant 0 : index
    %get3A_3 = arith.constant 0 : index
    %get3A_4 = vector.load %arg5[%get3A_2, %get3A_3] : memref<1000x16xf32, #tpu.memory_space<vmem>>, vector<1000x16xf32>
    %slice3A_5 = vector.extract_strided_slice %get3A_4 {offsets = [0, 0], sizes = [1000, 1], strides = [1, 1]} : vector<1000x16xf32> to vector<1000x1xf32>
    %add3A = arith.addf %slice3A, %slice3A_5 : vector<1000x1xf32>
    %add3A_6 = arith.constant 1.000000e+00 : f32
    %add3A_7 = vector.broadcast %add3A_6 : f32 to vector<1000x1xf32>
    %add3A_8 = arith.addf %add3A, %add3A_7 : vector<1000x1xf32>
    %rsqrt3A = math.rsqrt %add3A_8 : vector<1000x1xf32>
    %get3A_9 = arith.constant 0 : index
    %get3A_10 = arith.constant 0 : index
    %get3A_11 = vector.load %arg1[%get3A_9, %get3A_10] : memref<1000x128xf32, #tpu.memory_space<vmem>>, vector<1000x128xf32>
    %get3A_12 = arith.constant 0 : index
    %get3A_13 = arith.constant 0 : index
    %get3A_14 = vector.load %arg2[%get3A_12, %get3A_13] : memref<1000x128xf32, #tpu.memory_space<vmem>>, vector<1000x128xf32>
    %add3A_15 = arith.addf %get3A_11, %get3A_14 : vector<1000x128xf32>
    %get3A_16 = arith.constant 0 : index
    %get3A_17 = arith.constant 0 : index
    %get3A_18 = vector.load %arg3[%get3A_16, %get3A_17] : memref<1000x128xf32, #tpu.memory_space<vmem>>, vector<1000x128xf32>
    %add3A_19 = arith.addf %add3A_15, %get3A_18 : vector<1000x128xf32>
    %mul3A = vector.broadcast %rsqrt3A : vector<1000x1xf32> to vector<1000x128xf32>
    %mul3A_20 = arith.mulf %add3A_19, %mul3A : vector<1000x128xf32>
    %get3A_21 = arith.constant 0 : index
    %get3A_22 = arith.constant 0 : index
    %get3A_23 = vector.load %arg7[%get3A_21, %get3A_22] : memref<1x128xf32, #tpu.memory_space<vmem>>, vector<1x128xf32>
    %add3A_24 = vector.broadcast %get3A_23 : vector<1x128xf32> to vector<1000x128xf32>
    %add3A_25 = arith.addf %mul3A_20, %add3A_24 : vector<1000x128xf32>
    %get3A_26 = arith.constant 0 : index
    %get3A_27 = arith.constant 0 : index
    %get3A_28 = vector.load %arg8[%get3A_26, %get3A_27] : memref<128x128xf32, #tpu.memory_space<vmem>>, vector<128x128xf32>
    %dot_general3A = arith.constant dense<0.000000e+00> : vector<1000x128xf32>
    %dot_general3A_29 = tpu.matmul %add3A_25, %get3A_28, %dot_general3A {dimension_numbers = #tpu.dot_dimension_numbers<[1], [0], [0], [1], [0, 0, 1, 1], [], []>, transpose_lhs_hint = false} : vector<1000x128xf32>, vector<128x128xf32>, vector<1000x128xf32> -> vector<1000x128xf32>
    %get3A_30 = arith.constant 0 : index
    %get3A_31 = arith.constant 0 : index
    %get3A_32 = vector.load %arg9[%get3A_30, %get3A_31] : memref<1x128xf32, #tpu.memory_space<vmem>>, vector<1x128xf32>
    %add3A_33 = vector.broadcast %get3A_32 : vector<1x128xf32> to vector<1000x128xf32>
    %add3A_34 = arith.addf %dot_general3A_29, %add3A_33 : vector<1000x128xf32>
    %max3A = arith.constant 0.000000e+00 : f32
    %max3A_35 = vector.broadcast %max3A : f32 to vector<1000x128xf32>
    %max3A_36 = arith.maximumf %add3A_34, %max3A_35 : vector<1000x128xf32>
    %get3A_37 = arith.constant 0 : index
    %get3A_38 = arith.constant 0 : index
    %get3A_39 = vector.load %arg10[%get3A_37, %get3A_38] : memref<128x128xf32, #tpu.memory_space<vmem>>, vector<128x128xf32>
    %dot_general3A_40 = arith.constant dense<0.000000e+00> : vector<1000x128xf32>
    %dot_general3A_41 = tpu.matmul %max3A_36, %get3A_39, %dot_general3A_40 {dimension_numbers = #tpu.dot_dimension_numbers<[1], [0], [0], [1], [0, 0, 1, 1], [], []>, transpose_lhs_hint = false} : vector<1000x128xf32>, vector<128x128xf32>, vector<1000x128xf32> -> vector<1000x128xf32>
    %get3A_42 = arith.constant 0 : index
    %get3A_43 = arith.constant 0 : index
    %get3A_44 = vector.load %arg11[%get3A_42, %get3A_43] : memref<1x128xf32, #tpu.memory_space<vmem>>, vector<1x128xf32>
    %add3A_45 = vector.broadcast %get3A_44 : vector<1x128xf32> to vector<1000x128xf32>
    %add3A_46 = arith.addf %dot_general3A_41, %add3A_45 : vector<1000x128xf32>
    %get3A_47 = arith.constant 0 : index
    %get3A_48 = arith.constant 0 : index
    %get3A_49 = vector.load %arg6[%get3A_47, %get3A_48] : memref<1000x128xf32, #tpu.memory_space<vmem>>, vector<1000x128xf32>
    %get3A_50 = arith.constant 0 : index
    %get3A_51 = arith.constant 0 : index
    %get3A_52 = vector.load %arg12[%get3A_50, %get3A_51] : memref<128x128xf32, #tpu.memory_space<vmem>>, vector<128x128xf32>
    %dot_general3A_53 = arith.constant dense<0.000000e+00> : vector<1000x128xf32>
    %dot_general3A_54 = tpu.matmul %get3A_49, %get3A_52, %dot_general3A_53 {dimension_numbers = #tpu.dot_dimension_numbers<[1], [0], [0], [1], [0, 0, 1, 1], [], []>, transpose_lhs_hint = false} : vector<1000x128xf32>, vector<128x128xf32>, vector<1000x128xf32> -> vector<1000x128xf32>
    %get3A_55 = arith.constant 0 : index
    %get3A_56 = arith.constant 0 : index
    %get3A_57 = vector.load %arg13[%get3A_55, %get3A_56] : memref<128x128xf32, #tpu.memory_space<vmem>>, vector<128x128xf32>
    %dot_general3A_58 = arith.constant dense<0.000000e+00> : vector<1000x128xf32>
    %dot_general3A_59 = tpu.matmul %add3A_46, %get3A_57, %dot_general3A_58 {dimension_numbers = #tpu.dot_dimension_numbers<[1], [0], [0], [1], [0, 0, 1, 1], [], []>, transpose_lhs_hint = false} : vector<1000x128xf32>, vector<128x128xf32>, vector<1000x128xf32> -> vector<1000x128xf32>
    %add3A_60 = arith.addf %dot_general3A_54, %dot_general3A_59 : vector<1000x128xf32>
    %get3A_61 = arith.constant 0 : index
    %get3A_62 = arith.constant 0 : index
    %get3A_63 = vector.load %arg14[%get3A_61, %get3A_62] : memref<1x128xf32, #tpu.memory_space<vmem>>, vector<1x128xf32>
    %add3A_64 = vector.broadcast %get3A_63 : vector<1x128xf32> to vector<1000x128xf32>
    %add3A_65 = arith.addf %add3A_60, %add3A_64 : vector<1000x128xf32>
    %swap3A = arith.constant 0 : index
    %swap3A_66 = arith.constant 0 : index
    %swap3A_67 = vector.load %arg15[%swap3A, %swap3A_66] : memref<1000x128xf32, #tpu.memory_space<vmem>>, vector<1000x128xf32>
    tpu.vector_store %arg15[%swap3A, %swap3A_66], %add3A_65 {strides = array<i32>} : memref<1000x128xf32, #tpu.memory_space<vmem>>, vector<1000x128xf32>,
    return
  }
  func.func @transform_0(%arg0: i32) -> (i32, i32) {
    %c0_i32 = arith.constant 0 : i32
    %c0_i32_0 = arith.constant 0 : i32
    return %arg0, %c0_i32 : i32, i32
  }
  func.func @transform_1(%arg0: i32) -> (i32, i32) {
    %c0_i32 = arith.constant 0 : i32
    %c0_i32_0 = arith.constant 0 : i32
    return %arg0, %c0_i32 : i32, i32
  }
  func.func @transform_2(%arg0: i32) -> (i32, i32) {
    %c0_i32 = arith.constant 0 : i32
    %c0_i32_0 = arith.constant 0 : i32
    return %arg0, %c0_i32 : i32, i32
  }
  func.func @transform_3(%arg0: i32) -> (i32, i32) {
    %c0_i32 = arith.constant 0 : i32
    %c0_i32_0 = arith.constant 0 : i32
    return %arg0, %c0_i32 : i32, i32
  }
  func.func @transform_4(%arg0: i32) -> (i32, i32) {
    %c0_i32 = arith.constant 0 : i32
    %c0_i32_0 = arith.constant 0 : i32
    return %arg0, %c0_i32 : i32, i32
  }
  func.func @transform_5(%arg0: i32) -> (i32, i32) {
    %c0_i32 = arith.constant 0 : i32
    %c0_i32_0 = arith.constant 0 : i32
    return %arg0, %c0_i32 : i32, i32
  }
  func.func @transform_6(%arg0: i32) -> (i32, i32) {
    %c0_i32 = arith.constant 0 : i32
    %c0_i32_0 = arith.constant 0 : i32
    %c0_i32_1 = arith.constant 0 : i32
    return %c0_i32, %c0_i32_0 : i32, i32
  }
  func.func @transform_7(%arg0: i32) -> (i32, i32) {
    %c0_i32 = arith.constant 0 : i32
    %c0_i32_0 = arith.constant 0 : i32
    %c0_i32_1 = arith.constant 0 : i32
    return %c0_i32, %c0_i32_0 : i32, i32
  }
  func.func @transform_8(%arg0: i32) -> (i32, i32) {
    %c0_i32 = arith.constant 0 : i32
    %c0_i32_0 = arith.constant 0 : i32
    %c0_i32_1 = arith.constant 0 : i32
    return %c0_i32, %c0_i32_0 : i32, i32
  }
  func.func @transform_9(%arg0: i32) -> (i32, i32) {
    %c0_i32 = arith.constant 0 : i32
    %c0_i32_0 = arith.constant 0 : i32
    %c0_i32_1 = arith.constant 0 : i32
    return %c0_i32, %c0_i32_0 : i32, i32
  }
  func.func @transform_10(%arg0: i32) -> (i32, i32) {
    %c0_i32 = arith.constant 0 : i32
    %c0_i32_0 = arith.constant 0 : i32
    %c0_i32_1 = arith.constant 0 : i32
    return %c0_i32, %c0_i32_0 : i32, i32
  }
  func.func @transform_11(%arg0: i32) -> (i32, i32) {
    %c0_i32 = arith.constant 0 : i32
    %c0_i32_0 = arith.constant 0 : i32
    %c0_i32_1 = arith.constant 0 : i32
    return %c0_i32, %c0_i32_0 : i32, i32
  }
  func.func @transform_12(%arg0: i32) -> (i32, i32) {
    %c0_i32 = arith.constant 0 : i32
    %c0_i32_0 = arith.constant 0 : i32
    %c0_i32_1 = arith.constant 0 : i32
    return %c0_i32, %c0_i32_0 : i32, i32
  }
  func.func @transform_13(%arg0: i32) -> (i32, i32) {
    %c0_i32 = arith.constant 0 : i32
    %c0_i32_0 = arith.constant 0 : i32
    %c0_i32_1 = arith.constant 0 : i32
    return %c0_i32, %c0_i32_0 : i32, i32
  }
  func.func @transform_14(%arg0: i32) -> (i32, i32) {
    %c0_i32 = arith.constant 0 : i32
    %c0_i32_0 = arith.constant 0 : i32
    return %arg0, %c0_i32 : i32, i32
  }
}

</mosaic_0001>

<sc_bundles>
// kernel: kernel.10.cloned.1.call-start
scs
__scs_entry_jumppad:
0x0: {  	(pc) =	sbr.rel $0x88, $3  }
0x1: {  	(tag) =	ssettag $0x0;
	lr =	simm.s32 $0x1  }
0x2: {  	[smem:$0x3F93] =	sst lr;
	_ =	strace $0xD0000000  }
0x3: {  	_ = 	snop  }
0x4: {  	_ = 	snop  }
0x5: {  	_ = 	snop  }
0x6: {  	_ = 	snop  }
0x7: {  	_ = 	snop  }
__scs_overlays_trampoline_lowered:
0x8: {  	[smem:$0x3FA2] =	sst s0  }
0x9: {  	[smem:$0x3FA3] =	sst s1  }
0xa: {  	[smem:$0x3FA4] =	sst s2  }
0xb: {  	[smem:$0x3FA5] =	sst s3  }
0xc: {  	[smem:$0x3FA6] =	sst s4  }
0xd: {  	[smem:$0x3FA7] =	sst s5  }
0xe: {  	[smem:$0x3FA8] =	sst s6  }
0xf: {  	[smem:$0x3FA9] =	sst s7  }
0x10: {  	[smem:$0x3FAA] =	sst s8  }
0x11: {  	[smem:$0x3FAB] =	sst s9;
	s0 =	simm.s32 @!p0 $0x0  }
0x12: {  	s1 =	sld [smem:$0x3F91];
	s0 =	simm.s32 @p0 $0x1  }
0x13: {  	[smem:$0x3FAC] =	sst s0;
	s0 =	simm.s32 @!p1 $0x0  }
0x14: {  	s2 =	sld [smem:$0x3F90];
	s0 =	simm.s32 @p1 $0x1  }
0x15: {  	[smem:$0x3FAD] =	sst s0;
	s0 =	simm.s32 @!p2 $0x0  }
0x16: {  	s3 =	sld [smem:$0x3FDB];
	s0 =	simm.s32 @p2 $0x1  }
0x17: {  	s4 =	simm.s32 $0x1BF5;
	[smem:$0x3FAF] =	sst s0  }
0x18: {  	s0 =	sld [smem:$0x3F92];
	_ =	swait.ge [sflag:s4], $0x0  }
0x19: {  	s7 =	sld [smem:$0x3F93]  }
0x1a: {  	s8 =	sadd.s32 $0xFFFFE003, lr  }
0x1b: {  	s9 =	sadd.s32 $0xFFFFFEF7, lr;
	s5 =	simm.s32 $0xFFFFFFFF;
	p2 =	slt.u32 s8, $0xFFFFF086  }
0x1c: {  	p1 =	slt.u32 s9, $0xF7A;
	s5 =	simm.s32 @!p2 $0x0  }
0x1d: {  	s5 =	simm.s32 @p1 $0x1;
	p0 =	seq.s32 s7, s2  }
0x1e: {  	s7 =	smul.u32 @!p0 $0xF7A, s2;
	p2 =	seq.s32 @!p0 s5, $0x0  }
0x1f: {  	s9 =	smul.u32 $0xF7A, s1;
	s8 =	simm.s32 @!p0 $0x1BF5;
	p2 =	por !p2, p0  }
0x20: {  	[sflag:s8] =	ssyncset.s32 @!p0 $0xFFFFF086;
	s6 =	sadd.s32 @!p0 s3, s7;
	s7 =	simm.s32 @!p0 $0x108  }
0x21: {  	s3 =	sadd.s32 s3, s9;
	s6 =	sadd.s32 @!p0 $0x88, s6;
	s7 =	simm.s32 @p2 $0x1082  }
0x22: {  	[simem:s7], [sflag:s8] =	dma.local @!p0 [hbm:s6], $0xF7A  }
0x23: {  	s9 =	sor.u32 $0xD0000000, s2;
	s6 =	simm.s32 $0x108;
	_ =	swait.ge @!p0 [sflag:s8], $0x0  }
0x24: {  	s3 =	sadd.s32 $0x88, s3;
	s6 =	simm.s32 @!p1 $0x1082;
	[sflag:s4] =	ssyncset.s32 $0xFFFFF086  }
0x25: {  	[simem:s6], [sflag:s4] =	dma.local [hbm:s3], $0xF7A  }
0x26: {  	[smem:$0x3F93] =	sst s1;
	(tag) =	ssettag s2;
	_ =	strace s9  }
0x27: {  	s1 =	sld [smem:$0x3FA3]  }
0x28: {  	s2 =	sld [smem:$0x3FA4]  }
0x29: {  	s4 =	sld [smem:$0x3FA6]  }
0x2a: {  	p0 =	seq.s32 s5, $0x0;
	s5 =	sld [smem:$0x3FA7]  }
0x2b: {  	s6 =	sld [smem:$0x3FA8]  }
0x2c: {  	s7 =	sld [smem:$0x3FA9]  }
0x2d: {  	s3 =	simm.s32 $0x108;
	s8 =	sld [smem:$0x3FAA]  }
0x2e: {  	s3 =	simm.s32 @!p0 $0x1082;
	s9 =	sld [smem:$0x3FAB]  }
0x2f: {  	lr =	sadd.s32 s0, s3;
	s0 =	sld [smem:$0x3FA2]  }
0x30: {  	s3 =	sld [smem:$0x3FA5]  }
0x31: {  	[smem:$0x3FAE] =	sst s10  }
0x32: {  	s10 =	sld [smem:$0x3FAC];
	_ =	sdelay $0x3  }
0x33: {  	p0 =	seq.s32 s10, $0x1;
	s10 =	sld [smem:$0x3FAE];
	_ =	sdelay $0x3  }
0x34: {  	[smem:$0x3FAE] =	sst s10  }
0x35: {  	s10 =	sld [smem:$0x3FAD];
	_ =	sdelay $0x3  }
0x36: {  	p1 =	seq.s32 s10, $0x1;
	s10 =	sld [smem:$0x3FAE];
	_ =	sdelay $0x3  }
0x37: {  	[smem:$0x3FAE] =	sst s10  }
0x38: {  	s10 =	sld [smem:$0x3FAF]  }
0x39: {  	_ = 	snop;
	(pc) =	sbr.ind lr, $3  }
0x3a: {  	_ = 	snop  }
0x3b: {  	_ = 	snop  }
0x3c: {  	p2 =	seq.s32 s10, $0x1;
	s10 =	sld [smem:$0x3FAE]  }
0x3d: {  	_ =	shalt  }
0x3e: {  	_ =	shalt  }
0x3f: {  	_ =	shalt  }
0x40: {  	_ =	shalt  }
0x41: {  	_ =	shalt  }
0x42: {  	_ =	shalt  }
0x43: {  	_ =	shalt  }
0x44: {  	_ =	shalt  }
0x45: {  	_ =	shalt  }
0x46: {  	_ =	shalt  }
0x47: {  	_ =	shalt  }
0x48: {  	_ =	shalt  }
0x49: {  	_ =	shalt  }
0x4a: {  	_ =	shalt  }
0x4b: {  	_ =	shalt  }
0x4c: {  	_ =	shalt  }
0x4d: {  	_ =	shalt  }
0x4e: {  	_ =	shalt  }
0x4f: {  	_ =	shalt  }
0x50: {  	_ =	shalt  }
0x51: {  	_ =	shalt  }
0x52: {  	_ =	shalt  }
0x53: {  	_ =	shalt  }
0x54: {  	_ =	shalt  }
0x55: {  	_ =	shalt  }
0x56: {  	_ =	shalt  }
0x57: {  	_ =	shalt  }
0x58: {  	_ =	shalt  }
0x59: {  	_ =	shalt  }
0x5a: {  	_ =	shalt  }
0x5b: {  	_ =	shalt  }
0x5c: {  	_ =	shalt  }
0x5d: {  	_ =	shalt  }
0x5e: {  	_ =	shalt  }
0x5f: {  	_ =	shalt  }
0x60: {  	_ =	shalt  }
0x61: {  	_ =	shalt  }
0x62: {  	_ =	shalt  }
0x63: {  	_ =	shalt  }
0x64: {  	_ =	shalt  }
0x65: {  	_ =	shalt  }
0x66: {  	_ =	shalt  }
0x67: {  	_ =	shalt  }
0x68: {  	_ =	shalt  }
0x69: {  	_ =	shalt  }
0x6a: {  	_ =	shalt  }
0x6b: {  	_ =	shalt  }
0x6c: {  	_ =	shalt  }
0x6d: {  	_ =	shalt  }
0x6e: {  	_ =	shalt  }
0x6f: {  	_ =	shalt  }
0x70: {  	_ =	shalt  }
0x71: {  	_ =	shalt  }
0x72: {  	_ =	shalt  }
0x73: {  	_ =	shalt  }
0x74: {  	_ =	shalt  }
0x75: {  	_ =	shalt  }
0x76: {  	_ =	shalt  }
0x77: {  	_ =	shalt  }
0x78: {  	_ =	shalt  }
0x79: {  	_ =	shalt  }
0x7a: {  	_ =	shalt  }
0x7b: {  	_ =	shalt  }
0x7c: {  	_ =	shalt  }
0x7d: {  	_ =	shalt  }
0x7e: {  	_ =	shalt  }
0x7f: {  	_ =	shalt  }
0x80: {  	_ =	shalt  }
0x81: {  	_ =	shalt  }
0x82: {  	_ =	shalt  }
0x83: {  	_ =	shalt  }
0x84: {  	_ =	shalt  }
0x85: {  	_ =	shalt  }
0x86: {  	_ =	shalt  }
0x87: {  	_ =	shalt  }
.Lfunc_end0:
.L_simem_size_0:
called_computation.1_lowered:
.L_overlay_start_0:
0x88: {  	s2 =	sld [smem:$0x3FD9]  }
0x89: {  	s3 =	sld [smem:$0x3FFE];
	_ =	sdelay $0x1  }
0x8a: {  	s1 =	srdreg.scid  }
0x8b: {  	s0 =	sand.u32 $0x1, s1  }
0x8c: {  	s17 =	sshll.u32 s0, $0xA;
	s2 =	sadd.s32 s3, s2  }
0x8d: {  	s2 =	sadd.s32 s2, s17  }
0x8e: {  	[smem:$0x3FBA] =	sst s2  }
0x8f: {  	_ = 	snop  }
0x90: {  	s2 =	sld [smem:$0x3FD0];
	(tm) =	ssettm $0x1  }
0x91: {  	s18 =	sld [smem:$0x3FFB];
	_ =	sdelay $0x3  }
0x92: {  	_ =	strace s18  }
0x93: {  	s3 =	sld [smem:$0x3FFC];
	_ =	sdelay $0x3  }
0x94: {  	_ =	strace s3  }
0x95: {  	s3 =	sld [smem:$0x3FFD];
	_ =	sdelay $0x3  }
0x96: {  	_ =	strace s3  }
0x97: {  	_ =	strace $0x8FFFFFFF  }
0x98: {  	s19 =	sld [smem:$0x3FDB];
	_ =	sdelay $0x1  }
0x99: {  	s4 =	simm.s32 $_scs_section_size  }
0x9a: {  	s5 =	simm.s32 $_size__tile_overlayer_lowered;
	s6 =	simm.s32 $_tile_overlayer_lowered  }
0x9b: {  	s22 =	simm.s32 $0x1BFF;
	s21 =	sshll.u32 s6, $0x1;
	s3 =	sadd.s32 s4, s19  }
0x9c: {  	s7 =	simm.s32 $0x0;
	s20 =	sshll.u32 s5, $0x1;
	s5 =	sadd.s32 s21, s3  }
0x9d: {  	[timem:s7], [sflag:s22] =	dma.local [hbm:s5], s20  }
0x9e: {  	_ =	swait.ge [sflag:s22], s20  }
0x9f: {  	s4 =	ssub.s32 $0x0, s20;
	[sflag:s22] =	ssyncset.done $0x0  }
0xa0: {  	[sflag:s22] =	ssyncadd.s32 s4;
	_ =	sdelay $0x1  }
0xa1: {  	s23 =	simm.s32 $0x1B8B  }
0xa2: {  	_ =	swait.ge [sflag:s23], $0x1  }
0xa3: {  	[sflag:s23] =	ssyncset.done $0x0  }
0xa4: {  	s25 =	simm.s32 $0x1B8E;
	s24 =	sld [smem:$0x3FFE];
	[sflag:s23] =	ssyncadd.s32 $0xFFFFFFFF  }
0xa5: {  	s26 =	simm.s32 $execute0_lowered;
	[smem:$0x3FD2] =	sst s25  }
0xa6: {  	s5 =	sshll.u32 s26, $0x1;
	_ =	strace $0x80000049;
	[dreg:$0x1] =	wrdreg $0xFFFFFFFF  }
0xa7: {  	s28 =	simm.s32 $_size_execute0_lowered;
	s3 =	sadd.s32 s3, s5;
	[dreg:$0x0] =	wrdreg $0x0  }
0xa8: {  	s5 =	sshll.u32 s28, $0x1;
	[dreg:$0x2] =	wrdreg s3  }
0xa9: {  	[dreg:$0x3] =	wrdreg s5  }
0xaa: {  	[dreg:$0x4] =	wrdreg $0xC0  }
0xab: {  	_ =	task [dreg:s7], $0x5FFFF  }
0xac: {  	[dreg:$0x1] =	wrdreg $0xFFFFFFFF  }
0xad: {  	[dreg:$0x0] =	wrdreg $0x60  }
0xae: {  	[dreg:$0x2] =	wrdreg s24  }
0xaf: {  	[dreg:$0x3] =	wrdreg s2  }
0xb0: {  	[dreg:$0x4] =	wrdreg $0x66000  }
0xb1: {  	[dreg:$0x5] =	wrdreg $0x9  }
0xb2: {  	_ =	task.clear_ibuf [dreg:s7], $0x6FFFF;
	_ =	strace $0x90000049  }
0xb3: {  	s29 =	simm.s32 $0x9;
	_ =	strace $0x8000004B  }
0xb4: {  	_ =	swait.ge [sflag:s29], $0x1  }
0xb5: {  	[sflag:s29] =	ssyncadd.s32 $0xFFFFFFFF  }
0xb6: {  	_ =	strace $0x9000004B  }
0xb7: {  	_ =	sfence  }
0xb8: {  	s30 =	sld [smem:$0x0];
	_ =	sdelay $0x2  }
0xb9: {  	s31 =	sshll.u32 s1, $0xD;
	s1 =	sshrl.u32 s1, $0x2  }
0xba: {  	s3 =	sand.u32 $0x4000, s31;
	s1 =	sadd.s32 s1, s30  }
0xbb: {  	s0 =	sor.u32 s3, s0;
	s1 =	sshll.u32 s1, $0x11  }
0xbc: {  	s0 =	sor.u32 s1, s0  }
0xbd: {  	s0 =	sadd.s32 $0x8F2B, s0  }
0xbe: {  	[sflag:s0] =	ssyncadd.remote.s32 $0x1  }
0xbf: {  	_ =	sfence.sel $0xFFFF  }
0xc0: {  	[dreg:$0x0] =	wrdreg $0xFFFFFFFF;
	(pc) =	sbr.abs _section_cstart, $3  }
0xc1: {  	[dreg:$0x1] =	wrdreg $0xFFFFFFFF  }
0xc2: {  	_ =	task.clear_ibuf [dreg:s7], $0x2FFFF;
	_ =	strace $0x9FFFFFFF  }
0xc3: {  	(tm) =	ssettm $0x7FFFFFFF  }
tec
execute0_lowered:
.L_overlay_start_1:
0x0: {  	(tag) =	ssettag $0x1  }
0x1: {  	s5 =	rddreg [dreg:$0x0]  }
0x2: {  	s2 =	rddreg [dreg:$0x1];
	s0 =	srdreg.scid  }
0x3: {  	s3 =	rddreg [dreg:$0x2];
	s1 =	stileid.u32;
	s4 =	simm.s32 $0x0  }
0x4: {  	s15 =	simm.s32 $0x3;
	s16 =	simm.s32 $0x100;
	s17 =	simm.s32 $0x80  }
0x5: {  	s18 =	simm.s32 $0x180;
	s19 =	simm.s32 $0x50;
	s20 =	simm.s32 $0x200  }
0x6: {  	s21 =	simm.s32 $0x2A00;
	s22 =	simm.s32 $0x1;
	s23 =	simm.s32 $0x2  }
0x7: {  	s6 =	sand.u32 $0x1, s0;
	s0 =	rddreg [dreg:$0x3];
	s8 =	smul.u32 $0x1F400, s1  }
0x8: {  	s24 =	simm.s32 $0x0;
	[smem:$0x7FF] =	sst s4;
	s28 =	smul.u32 $0x4E20, s1  }
0x9: {  	s9 =	sshll.u32 s1, $0x1;
	s13 =	sadd.s32 $0xD400, s5;
	s11 =	smul.u32 $0x7D000, s1  }
0xa: {  	s12 =	sadd.s32 $0x3600, s5;
	p0 =	sgt.u32 s1, $0x9;
	s7 =	smul.u32 $0x138800, s6  }
0xb: {  	s26 =	sor.u32 s6, s9;
	s29 =	ssub.s32 $0x2, s6;
	s6 =	smul.u32 $0x2710, s6  }
0xc: {  	_ =	strace $0x8000004A;
	s10 =	sshrl.u32 s29, $0x1;
	s30 =	sshrl.u32 s11, $0x2  }
0xd: {  	s7 =	sadd.s32 s8, s7;
	s8 =	smul.u32 $0x2710, s26;
	s14 =	sadd.s32 s6, s28  }
0xe: {  	s10 =	ssub.s32 s29, s10;
	s7 =	sshrl.u32 s7, $0x3;
	s9 =	sadd.s32 $0x50, s14  }
0xf: {  	s14 =	sshrl.u32 s14, $0x3;
	s7 =	sadd.s32 s7, s5;
	s8 =	sshrl.u32 s8, $0x3  }
0x10: {  	s31 =	sshrl.u32 s9, $0x3;
	s9 =	smax.u32 s10, $0x1;
	s8 =	sadd.s32 $0x4D8, s8  }
0x11: {  	s7 =	sadd.s32 $0x8C600, s7;
	s10 =	sadd.s32 s31, s12;
	s11 =	sadd.s32 s31, s13  }
0x12: {  	s5 =	sadd.s32 s13, s8;
	s6 =	sadd.s32 s12, s8;
	s8 =	sadd.s32 s30, s3  }
0x13: {  	v0 =	vimm.f32 $0.0e+00;
	s12 =	sadd.s32 s14, s12;
	s13 =	sadd.s32 s14, s13;
	s14 =	simm.s32 $0x5200  }
.LBB2_1:
0x14: {  	s25 =	simm.s32 $0x70;
	s26 =	simm.s32 $0x3C0  }
.LBB2_2:
0x15: {  	p1 =	sne.s32 s26, $0x4FC0;
	[tilespmem:s25+$0x5200] =	vst v0  }
0x16: {  	[tilespmem:s25+$0x5190] =	vst v0  }
0x17: {  	[tilespmem:s25+$0x51A0] =	vst v0  }
.Ltmp0:
0x18: {  	[tilespmem:s25+$0x51B0] =	vst v0;
	(pc) =	sbr.rel @p1 .LBB2_2-.Ltmp0, $4  }
0x19: {  	[tilespmem:s25+$0x51C0] =	vst v0  }
0x1a: {  	[tilespmem:s25+$0x51D0] =	vst v0  }
0x1b: {  	[tilespmem:s25+$0x51E0] =	vst v0  }
0x1c: {  	[tilespmem:s25+$0x51F0] =	vst v0;
	s25 =	sshra.s32 s26, $0x2;
	s26 =	sadd.s32 $0x200, s26  }
0x1d: {  	[tilespmem:s25+$0x5200] =	vst v0  }
0x1e: {  	[tilespmem:s25+$0x5190] =	vst v0  }
0x1f: {  	[tilespmem:s25+$0x51A0] =	vst v0  }
.Ltmp1:
0x20: {  	[tilespmem:s25+$0x51B0] =	vst v0;
	(pc) =	sbr.rel @p0 .LBB2_7-.Ltmp1, $4  }
0x21: {  	[tilespmem:s25+$0x51C0] =	vst v0  }
0x22: {  	[tilespmem:s25+$0x51D0] =	vst v0  }
0x23: {  	[tilespmem:s25+$0x51E0] =	vst v0  }
0x24: {  	[tilespmem:s25+$0x51F0] =	vst v0  }
0x25: {  	s25 =	sadd.s32 $0x0, s8  }
0x26: {  	[spmem:s25] =	stream.linear.scatter [tilespmem:s14], [sflag:$0x3], $0x1400, $0x38;
	[tilespmem:$0x19E80] =	vst v63  }
0x27: {  	s25 =	simm.s32 $0x5000;
	_ =	swait.ge [sflag:s15], $0x1400  }
.LBB2_5:
0x28: {  	s26 =	sshra.s32 s25, $0x2;
	[sflag:s15] =	ssyncset.done $0x0;
	p1 =	sne.s32 s25, $0x78000  }
.Ltmp2:
0x29: {  	s26 =	sadd.s32 s26, s8;
	[sflag:s15] =	ssyncadd.s32 $0xFFFFEC00;
	(pc) =	sbr.rel @p1 .LBB2_5-.Ltmp2, $3  }
0x2a: {  	[spmem:s26] =	stream.linear.scatter [tilespmem:s14], [sflag:$0x3], $0x1400, $0x38;
	[tilespmem:$0x19E80] =	vst v63  }
0x2b: {  	s25 =	sadd.s32 $0x5000, s25;
	_ =	sdelay $0x1  }
0x2c: {  	_ =	swait.ge [sflag:s15], $0x1400  }
0x2d: {  	[sflag:s15] =	ssyncset.done $0x0  }
0x2e: {  	[sflag:s15] =	ssyncadd.s32 $0xFFFFEC00  }
.LBB2_7:
0x2f: {  	[bflag:$0x0] =	sbarrier.arrive $0xFFFF;
	s25 =	sadd.s32 $0x0, s13  }
0x30: {  	[tilespmem:s4], [sflag:$0x3] =	stream.linear.gather [hbm4b:s25+s4], $0x50, $0x38;
	[tilespmem:$0x19E80] =	vst v63  }
0x31: {  	_ =	swait.ge [sflag:s15], $0x50  }
0x32: {  	[sflag:s15] =	ssyncset.done $0x0  }
0x33: {  	s29 =	sadd.s32 $0x0, s12;
	[sflag:s15] =	ssyncadd.s32 $0xFFFFFFB0  }
0x34: {  	[tilespmem:s16], [sflag:$0x3] =	stream.linear.gather [hbm4b:s29+s4], $0x50, $0x38;
	[tilespmem:$0x19E80] =	vst v63  }
0x35: {  	_ =	swait.ge [sflag:s15], $0x50  }
0x36: {  	[sflag:s15] =	ssyncset.done $0x0  }
0x37: {  	s30 =	sadd.s32 $0x0, s11;
	[sflag:s15] =	ssyncadd.s32 $0xFFFFFFB0  }
0x38: {  	[tilespmem:s17], [sflag:$0x3] =	stream.linear.gather [hbm4b:s30+s4], $0x50, $0x38;
	[tilespmem:$0x19E80] =	vst v63  }
0x39: {  	_ =	swait.ge [sflag:s15], $0x50  }
0x3a: {  	[sflag:s15] =	ssyncset.done $0x0  }
0x3b: {  	s31 =	sadd.s32 $0x0, s10;
	[sflag:s15] =	ssyncadd.s32 $0xFFFFFFB0  }
0x3c: {  	[tilespmem:s18], [sflag:$0x3] =	stream.linear.gather [hbm4b:s31+s4], $0x50, $0x38;
	[tilespmem:$0x19E80] =	vst v63  }
0x3d: {  	_ =	swait.ge [sflag:s15], $0x50  }
0x3e: {  	[sflag:s15] =	ssyncset.done $0x0  }
0x3f: {  	[sflag:s15] =	ssyncadd.s32 $0xFFFFFFB0  }
0x40: {  	[tilespmem:s20], [sflag:$0x1] =	stream.indirect.gather [hbm4b:s2+s19], $0x80, s4, s19, $0xb8;
	[tilespmem:$0x19E80] =	vst v63  }
0x41: {  	_ = 	snop  }
0x42: {  	[tilespmem:s21], [sflag:$0x2] =	stream.indirect.gather [hbm4b:s2+s19], $0x80, s17, s19, $0xb8;
	[tilespmem:$0x19E80] =	vst v63  }
0x43: {  	_ =	swait.ge [sflag:s22], $0x2800  }
0x44: {  	[sflag:s22] =	ssyncset.done $0x0  }
0x45: {  	[sflag:s22] =	ssyncadd.s32 $0xFFFFD800  }
0x46: {  	[spmem:s3] =	stream.indirect.scatter.add.f32 [tilespmem:s20], [sflag:$0x3], $0x80, s16, s19, $0xb8;
	[tilespmem:$0x19E80] =	vst v63  }
0x47: {  	_ =	swait.ge [sflag:s15], $0x2800  }
0x48: {  	[sflag:s15] =	ssyncset.done $0x0  }
0x49: {  	[sflag:s15] =	ssyncadd.s32 $0xFFFFD800  }
0x4a: {  	_ =	swait.ge [sflag:s23], $0x2800  }
0x4b: {  	[sflag:s23] =	ssyncset.done $0x0  }
0x4c: {  	[sflag:s23] =	ssyncadd.s32 $0xFFFFD800  }
0x4d: {  	[spmem:s3] =	stream.indirect.scatter.add.f32 [tilespmem:s21], [sflag:$0x3], $0x80, s18, s19, $0xb8;
	[tilespmem:$0x19E80] =	vst v63  }
0x4e: {  	_ =	swait.ge [sflag:s15], $0x2800  }
0x4f: {  	s28 =	simm.s32 $0x28;
	s25 =	simm.s32 $0x14;
	[sflag:s15] =	ssyncset.done $0x0  }
.LBB2_8:
0x50: {  	s29 =	sadd.s32 s25, s13  }
0x51: {  	[sflag:s15] =	ssyncadd.s32 $0xFFFFD800;
	s30 =	smov.u32 s28;
	s26 =	sadd.s32 $0x14, s28  }
0x52: {  	[tilespmem:s4], [sflag:$0x3] =	stream.linear.gather [hbm4b:s29+s4], $0x50, $0x38;
	[tilespmem:$0x19E80] =	vst v63  }
0x53: {  	p1 =	sne.s32 s28, $0x4C4;
	_ =	swait.ge [sflag:s15], $0x50  }
0x54: {  	[sflag:s15] =	ssyncset.done $0x0  }
0x55: {  	s28 =	sadd.s32 s25, s12;
	[sflag:s15] =	ssyncadd.s32 $0xFFFFFFB0  }
0x56: {  	[tilespmem:s16], [sflag:$0x3] =	stream.linear.gather [hbm4b:s28+s4], $0x50, $0x38;
	[tilespmem:$0x19E80] =	vst v63  }
0x57: {  	_ =	swait.ge [sflag:s15], $0x50  }
0x58: {  	[sflag:s15] =	ssyncset.done $0x0  }
0x59: {  	s28 =	sadd.s32 s25, s11;
	[sflag:s15] =	ssyncadd.s32 $0xFFFFFFB0  }
0x5a: {  	[tilespmem:s17], [sflag:$0x3] =	stream.linear.gather [hbm4b:s28+s4], $0x50, $0x38;
	[tilespmem:$0x19E80] =	vst v63  }
0x5b: {  	_ =	swait.ge [sflag:s15], $0x50  }
0x5c: {  	[sflag:s15] =	ssyncset.done $0x0  }
0x5d: {  	s28 =	sadd.s32 s25, s10;
	s25 =	smov.u32 s30;
	[sflag:s15] =	ssyncadd.s32 $0xFFFFFFB0  }
0x5e: {  	[tilespmem:s18], [sflag:$0x3] =	stream.linear.gather [hbm4b:s28+s4], $0x50, $0x38;
	[tilespmem:$0x19E80] =	vst v63  }
0x5f: {  	_ =	swait.ge [sflag:s15], $0x50  }
0x60: {  	[sflag:s15] =	ssyncset.done $0x0  }
0x61: {  	[sflag:s15] =	ssyncadd.s32 $0xFFFFFFB0  }
0x62: {  	[tilespmem:s20], [sflag:$0x1] =	stream.indirect.gather [hbm4b:s2+s19], $0x80, s4, s19, $0xb8;
	[tilespmem:$0x19E80] =	vst v63  }
0x63: {  	_ = 	snop  }
0x64: {  	[tilespmem:s21], [sflag:$0x2] =	stream.indirect.gather [hbm4b:s2+s19], $0x80, s17, s19, $0xb8;
	[tilespmem:$0x19E80] =	vst v63  }
0x65: {  	_ =	swait.ge [sflag:s22], $0x2800  }
0x66: {  	[sflag:s22] =	ssyncset.done $0x0  }
0x67: {  	[sflag:s22] =	ssyncadd.s32 $0xFFFFD800  }
0x68: {  	[spmem:s3] =	stream.indirect.scatter.add.f32 [tilespmem:s20], [sflag:$0x3], $0x80, s16, s19, $0xb8;
	[tilespmem:$0x19E80] =	vst v63  }
0x69: {  	_ =	swait.ge [sflag:s15], $0x2800  }
0x6a: {  	[sflag:s15] =	ssyncset.done $0x0  }
0x6b: {  	[sflag:s15] =	ssyncadd.s32 $0xFFFFD800  }
0x6c: {  	_ =	swait.ge [sflag:s23], $0x2800  }
.Ltmp3:
0x6d: {  	[sflag:s23] =	ssyncset.done $0x0;
	(pc) =	sbr.rel @p1 .LBB2_8-.Ltmp3, $4  }
0x6e: {  	[sflag:s23] =	ssyncadd.s32 $0xFFFFD800  }
0x6f: {  	[spmem:s3] =	stream.indirect.scatter.add.f32 [tilespmem:s21], [sflag:$0x3], $0x80, s18, s19, $0xb8;
	[tilespmem:$0x19E80] =	vst v63  }
0x70: {  	_ =	swait.ge [sflag:s15], $0x2800  }
0x71: {  	s28 =	smov.u32 s26;
	[sflag:s15] =	ssyncset.done $0x0  }
0x72: {  	s26 =	sadd.s32 s25, s13;
	[sflag:s15] =	ssyncadd.s32 $0xFFFFD800  }
0x73: {  	[tilespmem:s4], [sflag:$0x3] =	stream.linear.gather [hbm4b:s26+s4], $0x50, $0x38;
	[tilespmem:$0x19E80] =	vst v63  }
0x74: {  	_ =	swait.ge [sflag:s15], $0x50  }
0x75: {  	[sflag:s15] =	ssyncset.done $0x0  }
0x76: {  	s29 =	sadd.s32 s25, s12;
	[sflag:s15] =	ssyncadd.s32 $0xFFFFFFB0  }
0x77: {  	[tilespmem:s16], [sflag:$0x3] =	stream.linear.gather [hbm4b:s29+s4], $0x50, $0x38;
	[tilespmem:$0x19E80] =	vst v63  }
0x78: {  	_ =	swait.ge [sflag:s15], $0x50  }
0x79: {  	[sflag:s15] =	ssyncset.done $0x0  }
0x7a: {  	s30 =	sadd.s32 s25, s11;
	[sflag:s15] =	ssyncadd.s32 $0xFFFFFFB0  }
0x7b: {  	[tilespmem:s17], [sflag:$0x3] =	stream.linear.gather [hbm4b:s30+s4], $0x50, $0x38;
	[tilespmem:$0x19E80] =	vst v63  }
0x7c: {  	_ =	swait.ge [sflag:s15], $0x50  }
0x7d: {  	[sflag:s15] =	ssyncset.done $0x0  }
0x7e: {  	s31 =	sadd.s32 s25, s10;
	[sflag:s15] =	ssyncadd.s32 $0xFFFFFFB0  }
0x7f: {  	[tilespmem:s18], [sflag:$0x3] =	stream.linear.gather [hbm4b:s31+s4], $0x50, $0x38;
	[tilespmem:$0x19E80] =	vst v63  }
0x80: {  	_ =	swait.ge [sflag:s15], $0x50  }
0x81: {  	[sflag:s15] =	ssyncset.done $0x0  }
0x82: {  	[sflag:s15] =	ssyncadd.s32 $0xFFFFFFB0  }
0x83: {  	[tilespmem:s20], [sflag:$0x1] =	stream.indirect.gather [hbm4b:s2+s19], $0x80, s4, s19, $0xb8;
	[tilespmem:$0x19E80] =	vst v63  }
0x84: {  	_ = 	snop  }
0x85: {  	[tilespmem:s21], [sflag:$0x2] =	stream.indirect.gather [hbm4b:s2+s19], $0x80, s17, s19, $0xb8;
	[tilespmem:$0x19E80] =	vst v63  }
0x86: {  	_ =	swait.ge [sflag:s22], $0x2800  }
0x87: {  	[sflag:s22] =	ssyncset.done $0x0  }
0x88: {  	[sflag:s22] =	ssyncadd.s32 $0xFFFFD800  }
0x89: {  	[spmem:s3] =	stream.indirect.scatter.add.f32 [tilespmem:s20], [sflag:$0x3], $0x80, s16, s19, $0xb8;
	[tilespmem:$0x19E80] =	vst v63  }
0x8a: {  	_ =	swait.ge [sflag:s15], $0x2800  }
0x8b: {  	[sflag:s15] =	ssyncset.done $0x0  }
0x8c: {  	[sflag:s15] =	ssyncadd.s32 $0xFFFFD800  }
0x8d: {  	_ =	swait.ge [sflag:s23], $0x2800  }
0x8e: {  	[sflag:s23] =	ssyncset.done $0x0  }
0x8f: {  	[sflag:s23] =	ssyncadd.s32 $0xFFFFD800  }
0x90: {  	[spmem:s3] =	stream.indirect.scatter.add.f32 [tilespmem:s21], [sflag:$0x3], $0x80, s18, s19, $0xb8;
	[tilespmem:$0x19E80] =	vst v63  }
0x91: {  	_ =	swait.ge [sflag:s15], $0x2800  }
0x92: {  	[sflag:s15] =	ssyncset.done $0x0  }
0x93: {  	[sflag:s15] =	ssyncadd.s32 $0xFFFFD800  }
0x94: {  	[tilespmem:s4], [sflag:$0x3] =	stream.linear.gather [hbm4b:s5+s4], $0x50, $0x38;
	[tilespmem:$0x19E80] =	vst v63  }
0x95: {  	_ =	swait.ge [sflag:s15], $0x50  }
0x96: {  	[sflag:s15] =	ssyncset.done $0x0  }
0x97: {  	[sflag:s15] =	ssyncadd.s32 $0xFFFFFFB0  }
0x98: {  	[tilespmem:s16], [sflag:$0x3] =	stream.linear.gather [hbm4b:s6+s4], $0x50, $0x38;
	[tilespmem:$0x19E80] =	vst v63  }
0x99: {  	_ =	swait.ge [sflag:s15], $0x50  }
0x9a: {  	[sflag:s15] =	ssyncset.done $0x0  }
0x9b: {  	[sflag:s15] =	ssyncadd.s32 $0xFFFFFFB0  }
0x9c: {  	[tilespmem:s20], [sflag:$0x1] =	stream.indirect.gather [hbm4b:s2+s19], $0x80, s4, s19, $0xb8;
	[tilespmem:$0x19E80] =	vst v63  }
0x9d: {  	_ =	swait.ge [sflag:s22], $0x2800  }
0x9e: {  	[sflag:s22] =	ssyncset.done $0x0  }
0x9f: {  	[sflag:s22] =	ssyncadd.s32 $0xFFFFD800  }
0xa0: {  	[spmem:s3] =	stream.indirect.scatter.add.f32 [tilespmem:s20], [sflag:$0x3], $0x80, s16, s19, $0xb8;
	[tilespmem:$0x19E80] =	vst v63  }
0xa1: {  	_ =	swait.ge [sflag:s15], $0x2800  }
0xa2: {  	s25 =	sshll.u32 @!p0 s1, $0x6;
	[sflag:s15] =	ssyncset.done $0x0  }
0xa3: {  	s24 =	sadd.s32 $0x1, s24;
	s25 =	sor.u32 @!p0 $0x1C03, s25;
	[sflag:s15] =	ssyncadd.s32 $0xFFFFD800  }
0xa4: {  	s26 =	sshrl.u32 @!p0 s8, $0x3;
	p1 =	sne.s32 s24, s9;
	[bflag:$0x0] =	sbarrier.arrive $0xFFFF  }
0xa5: {  	[hbm:s7], [sflag:s25] =	dma.local @!p0 [spmem:s26], $0x3E80  }
.Ltmp4:
0xa6: {  	_ = 	snop;
	(pc) =	sbr.rel @p1 .LBB2_1-.Ltmp4, $4  }
0xa7: {  	s25 =	simm.s32 @!p0 $0x3  }
0xa8: {  	_ =	swait.ge @!p0 [sflag:s25], $0x3E80  }
0xa9: {  	[sflag:s25] =	ssyncset.done @!p0 $0x0  }
0xaa: {  	[sflag:s25] =	ssyncadd.s32 @!p0 $0xFFFFC180  }
0xab: {  	_ =	sfence.sel $0x180000  }
0xac: {  	[bflag:$0x0] =	sbarrier.arrive $0xFFFF  }
0xad: {  	p0 =	sne.s32 s1, $0x0;
	_ =	strace $0x9000004A  }
0xae: {  	s0 =	sadd.s32 @!p0 $0x100000, s0;
	[bflag:$0x2] =	sbarrier.arrive $0xFFFF  }
0xaf: {  	[sflag:s0] =	ssyncadd.tile.s32 @!p0 $0x1;
	_ =	shalt  }
.Lfunc_end2:
_tile_overlayer_lowered:
.L_overlay_start_2:
0xb0: {  	(tag) =	ssettag $0x2  }
0xb1: {  	s0 =	rddreg [dreg:$0x0];
	s2 =	stileid.u32  }
0xb2: {  	s1 =	rddreg [dreg:$0x1];
	p0 =	sne.s32 s2, $0x0  }
0xb3: {  	s3 =	rddreg [dreg:$0x2];
	[bflag:$0x3] =	sbarrier.arrive $0xFFFF;
	s2 =	simm.s32 @!p0 $0x1C03  }
0xb4: {  	[timem:s3], [sflag:s2] =	dma.local @!p0 [hbm:s0], s1  }
0xb5: {  	s0 =	simm.s32 @!p0 $0x3  }
0xb6: {  	_ =	swait.ge @!p0 [sflag:s0], s1  }
0xb7: {  	s1 =	ssub.s32 @!p0 $0x0, s1;
	[sflag:s0] =	ssyncset.done @!p0 $0x0  }
0xb8: {  	[sflag:s0] =	ssyncadd.s32 @!p0 s1  }
0xb9: {  	[bflag:$0x3] =	sbarrier.arrive $0xFFFF  }
0xba: {  	_ =	shalt  }

// kernel: kernel.7.cloned.1.call-start
scs
__scs_entry_jumppad:
0x0: {  	(pc) =	sbr.rel $0x88, $3  }
0x1: {  	(tag) =	ssettag $0x0;
	lr =	simm.s32 $0x1  }
0x2: {  	[smem:$0x3F93] =	sst lr;
	_ =	strace $0xD0000000  }
0x3: {  	_ = 	snop  }
0x4: {  	_ = 	snop  }
0x5: {  	_ = 	snop  }
0x6: {  	_ = 	snop  }
0x7: {  	_ = 	snop  }
__scs_overlays_trampoline_lowered:
0x8: {  	[smem:$0x3FA2] =	sst s0  }
0x9: {  	[smem:$0x3FA3] =	sst s1  }
0xa: {  	[smem:$0x3FA4] =	sst s2  }
0xb: {  	[smem:$0x3FA5] =	sst s3  }
0xc: {  	[smem:$0x3FA6] =	sst s4  }
0xd: {  	[smem:$0x3FA7] =	sst s5  }
0xe: {  	[smem:$0x3FA8] =	sst s6  }
0xf: {  	[smem:$0x3FA9] =	sst s7  }
0x10: {  	[smem:$0x3FAA] =	sst s8  }
0x11: {  	[smem:$0x3FAB] =	sst s9;
	s0 =	simm.s32 @!p0 $0x0  }
0x12: {  	s1 =	sld [smem:$0x3F91];
	s0 =	simm.s32 @p0 $0x1  }
0x13: {  	[smem:$0x3FAC] =	sst s0;
	s0 =	simm.s32 @!p1 $0x0  }
0x14: {  	s2 =	sld [smem:$0x3F90];
	s0 =	simm.s32 @p1 $0x1  }
0x15: {  	[smem:$0x3FAD] =	sst s0;
	s0 =	simm.s32 @!p2 $0x0  }
0x16: {  	s3 =	sld [smem:$0x3FDB];
	s0 =	simm.s32 @p2 $0x1  }
0x17: {  	s4 =	simm.s32 $0x1BF5;
	[smem:$0x3FAF] =	sst s0  }
0x18: {  	s0 =	sld [smem:$0x3F92];
	_ =	swait.ge [sflag:s4], $0x0  }
0x19: {  	s7 =	sld [smem:$0x3F93]  }
0x1a: {  	s8 =	sadd.s32 $0xFFFFE003, lr  }
0x1b: {  	s9 =	sadd.s32 $0xFFFFFEF7, lr;
	s5 =	simm.s32 $0xFFFFFFFF;
	p2 =	slt.u32 s8, $0xFFFFF086  }
0x1c: {  	p1 =	slt.u32 s9, $0xF7A;
	s5 =	simm.s32 @!p2 $0x0  }
0x1d: {  	s5 =	simm.s32 @p1 $0x1;
	p0 =	seq.s32 s7, s2  }
0x1e: {  	s7 =	smul.u32 @!p0 $0xF7A, s2;
	p2 =	seq.s32 @!p0 s5, $0x0  }
0x1f: {  	s9 =	smul.u32 $0xF7A, s1;
	s8 =	simm.s32 @!p0 $0x1BF5;
	p2 =	por !p2, p0  }
0x20: {  	[sflag:s8] =	ssyncset.s32 @!p0 $0xFFFFF086;
	s6 =	sadd.s32 @!p0 s3, s7;
	s7 =	simm.s32 @!p0 $0x108  }
0x21: {  	s3 =	sadd.s32 s3, s9;
	s6 =	sadd.s32 @!p0 $0x88, s6;
	s7 =	simm.s32 @p2 $0x1082  }
0x22: {  	[simem:s7], [sflag:s8] =	dma.local @!p0 [hbm:s6], $0xF7A  }
0x23: {  	s9 =	sor.u32 $0xD0000000, s2;
	s6 =	simm.s32 $0x108;
	_ =	swait.ge @!p0 [sflag:s8], $0x0  }
0x24: {  	s3 =	sadd.s32 $0x88, s3;
	s6 =	simm.s32 @!p1 $0x1082;
	[sflag:s4] =	ssyncset.s32 $0xFFFFF086  }
0x25: {  	[simem:s6], [sflag:s4] =	dma.local [hbm:s3], $0xF7A  }
0x26: {  	[smem:$0x3F93] =	sst s1;
	(tag) =	ssettag s2;
	_ =	strace s9  }
0x27: {  	s1 =	sld [smem:$0x3FA3]  }
0x28: {  	s2 =	sld [smem:$0x3FA4]  }
0x29: {  	s4 =	sld [smem:$0x3FA6]  }
0x2a: {  	p0 =	seq.s32 s5, $0x0;
	s5 =	sld [smem:$0x3FA7]  }
0x2b: {  	s6 =	sld [smem:$0x3FA8]  }
0x2c: {  	s7 =	sld [smem:$0x3FA9]  }
0x2d: {  	s3 =	simm.s32 $0x108;
	s8 =	sld [smem:$0x3FAA]  }
0x2e: {  	s3 =	simm.s32 @!p0 $0x1082;
	s9 =	sld [smem:$0x3FAB]  }
0x2f: {  	lr =	sadd.s32 s0, s3;
	s0 =	sld [smem:$0x3FA2]  }
0x30: {  	s3 =	sld [smem:$0x3FA5]  }
0x31: {  	[smem:$0x3FAE] =	sst s10  }
0x32: {  	s10 =	sld [smem:$0x3FAC];
	_ =	sdelay $0x3  }
0x33: {  	p0 =	seq.s32 s10, $0x1;
	s10 =	sld [smem:$0x3FAE];
	_ =	sdelay $0x3  }
0x34: {  	[smem:$0x3FAE] =	sst s10  }
0x35: {  	s10 =	sld [smem:$0x3FAD];
	_ =	sdelay $0x3  }
0x36: {  	p1 =	seq.s32 s10, $0x1;
	s10 =	sld [smem:$0x3FAE];
	_ =	sdelay $0x3  }
0x37: {  	[smem:$0x3FAE] =	sst s10  }
0x38: {  	s10 =	sld [smem:$0x3FAF]  }
0x39: {  	_ = 	snop;
	(pc) =	sbr.ind lr, $3  }
0x3a: {  	_ = 	snop  }
0x3b: {  	_ = 	snop  }
0x3c: {  	p2 =	seq.s32 s10, $0x1;
	s10 =	sld [smem:$0x3FAE]  }
0x3d: {  	_ =	shalt  }
0x3e: {  	_ =	shalt  }
0x3f: {  	_ =	shalt  }
0x40: {  	_ =	shalt  }
0x41: {  	_ =	shalt  }
0x42: {  	_ =	shalt  }
0x43: {  	_ =	shalt  }
0x44: {  	_ =	shalt  }
0x45: {  	_ =	shalt  }
0x46: {  	_ =	shalt  }
0x47: {  	_ =	shalt  }
0x48: {  	_ =	shalt  }
0x49: {  	_ =	shalt  }
0x4a: {  	_ =	shalt  }
0x4b: {  	_ =	shalt  }
0x4c: {  	_ =	shalt  }
0x4d: {  	_ =	shalt  }
0x4e: {  	_ =	shalt  }
0x4f: {  	_ =	shalt  }
0x50: {  	_ =	shalt  }
0x51: {  	_ =	shalt  }
0x52: {  	_ =	shalt  }
0x53: {  	_ =	shalt  }
0x54: {  	_ =	shalt  }
0x55: {  	_ =	shalt  }
0x56: {  	_ =	shalt  }
0x57: {  	_ =	shalt  }
0x58: {  	_ =	shalt  }
0x59: {  	_ =	shalt  }
0x5a: {  	_ =	shalt  }
0x5b: {  	_ =	shalt  }
0x5c: {  	_ =	shalt  }
0x5d: {  	_ =	shalt  }
0x5e: {  	_ =	shalt  }
0x5f: {  	_ =	shalt  }
0x60: {  	_ =	shalt  }
0x61: {  	_ =	shalt  }
0x62: {  	_ =	shalt  }
0x63: {  	_ =	shalt  }
0x64: {  	_ =	shalt  }
0x65: {  	_ =	shalt  }
0x66: {  	_ =	shalt  }
0x67: {  	_ =	shalt  }
0x68: {  	_ =	shalt  }
0x69: {  	_ =	shalt  }
0x6a: {  	_ =	shalt  }
0x6b: {  	_ =	shalt  }
0x6c: {  	_ =	shalt  }
0x6d: {  	_ =	shalt  }
0x6e: {  	_ =	shalt  }
0x6f: {  	_ =	shalt  }
0x70: {  	_ =	shalt  }
0x71: {  	_ =	shalt  }
0x72: {  	_ =	shalt  }
0x73: {  	_ =	shalt  }
0x74: {  	_ =	shalt  }
0x75: {  	_ =	shalt  }
0x76: {  	_ =	shalt  }
0x77: {  	_ =	shalt  }
0x78: {  	_ =	shalt  }
0x79: {  	_ =	shalt  }
0x7a: {  	_ =	shalt  }
0x7b: {  	_ =	shalt  }
0x7c: {  	_ =	shalt  }
0x7d: {  	_ =	shalt  }
0x7e: {  	_ =	shalt  }
0x7f: {  	_ =	shalt  }
0x80: {  	_ =	shalt  }
0x81: {  	_ =	shalt  }
0x82: {  	_ =	shalt  }
0x83: {  	_ =	shalt  }
0x84: {  	_ =	shalt  }
0x85: {  	_ =	shalt  }
0x86: {  	_ =	shalt  }
0x87: {  	_ =	shalt  }
.Lfunc_end0:
.L_simem_size_0:
called_computation_lowered:
.L_overlay_start_0:
0x88: {  	s2 =	sld [smem:$0x3FD9]  }
0x89: {  	s3 =	sld [smem:$0x3FFE];
	_ =	sdelay $0x1  }
0x8a: {  	s1 =	srdreg.scid  }
0x8b: {  	s0 =	sand.u32 $0x1, s1  }
0x8c: {  	s16 =	sshll.u32 s0, $0xA;
	s2 =	sadd.s32 s3, s2  }
0x8d: {  	s2 =	sadd.s32 s2, s16  }
0x8e: {  	[smem:$0x3FBA] =	sst s2  }
0x8f: {  	_ = 	snop  }
0x90: {  	(tm) =	ssettm $0x1  }
0x91: {  	s17 =	sld [smem:$0x3FFB];
	_ =	sdelay $0x3  }
0x92: {  	_ =	strace s17  }
0x93: {  	s2 =	sld [smem:$0x3FFC];
	_ =	sdelay $0x3  }
0x94: {  	_ =	strace s2  }
0x95: {  	s2 =	sld [smem:$0x3FFD];
	_ =	sdelay $0x3  }
0x96: {  	_ =	strace s2  }
0x97: {  	_ =	strace $0x8FFFFFFF  }
0x98: {  	s18 =	sld [smem:$0x3FDB];
	_ =	sdelay $0x1  }
0x99: {  	s19 =	simm.s32 $_scs_section_size  }
0x9a: {  	s4 =	simm.s32 $_size__tile_overlayer_lowered;
	s5 =	simm.s32 $_tile_overlayer_lowered  }
0x9b: {  	s22 =	simm.s32 $0x1BFF;
	s21 =	sshll.u32 s5, $0x1;
	s2 =	sadd.s32 s19, s18  }
0x9c: {  	s6 =	simm.s32 $0x0;
	s20 =	sshll.u32 s4, $0x1;
	s4 =	sadd.s32 s21, s2  }
0x9d: {  	[timem:s6], [sflag:s22] =	dma.local [hbm:s4], s20  }
0x9e: {  	_ =	swait.ge [sflag:s22], s20  }
0x9f: {  	s3 =	ssub.s32 $0x0, s20;
	[sflag:s22] =	ssyncset.done $0x0  }
0xa0: {  	[sflag:s22] =	ssyncadd.s32 s3;
	_ =	sdelay $0x1  }
0xa1: {  	s23 =	simm.s32 $0x1B8B  }
0xa2: {  	_ =	swait.ge [sflag:s23], $0x1  }
0xa3: {  	[sflag:s23] =	ssyncset.done $0x0  }
0xa4: {  	s25 =	simm.s32 $0x1B8E;
	s24 =	sld [smem:$0x3FFE];
	[sflag:s23] =	ssyncadd.s32 $0xFFFFFFFF  }
0xa5: {  	s26 =	simm.s32 $execute0_lowered;
	[smem:$0x3FD2] =	sst s25  }
0xa6: {  	s4 =	sshll.u32 s26, $0x1;
	_ =	strace $0x80000046;
	[dreg:$0x1] =	wrdreg $0xFFFFFFFF  }
0xa7: {  	s28 =	simm.s32 $_size_execute0_lowered;
	s2 =	sadd.s32 s2, s4;
	[dreg:$0x0] =	wrdreg $0x0  }
0xa8: {  	s4 =	sshll.u32 s28, $0x1;
	[dreg:$0x2] =	wrdreg s2  }
0xa9: {  	[dreg:$0x3] =	wrdreg s4  }
0xaa: {  	[dreg:$0x4] =	wrdreg $0xC0  }
0xab: {  	_ =	task [dreg:s6], $0x5FFFF  }
0xac: {  	[dreg:$0x1] =	wrdreg $0xFFFFFFFF  }
0xad: {  	[dreg:$0x0] =	wrdreg $0x60  }
0xae: {  	[dreg:$0x2] =	wrdreg s24  }
0xaf: {  	[dreg:$0x3] =	wrdreg $0x3D000  }
0xb0: {  	[dreg:$0x4] =	wrdreg $0x9  }
0xb1: {  	_ =	task.clear_ibuf [dreg:s6], $0x5FFFF;
	_ =	strace $0x90000046  }
0xb2: {  	s29 =	simm.s32 $0x9;
	_ =	strace $0x80000048  }
0xb3: {  	_ =	swait.ge [sflag:s29], $0x1  }
0xb4: {  	[sflag:s29] =	ssyncadd.s32 $0xFFFFFFFF  }
0xb5: {  	_ =	strace $0x90000048  }
0xb6: {  	_ =	sfence  }
0xb7: {  	s30 =	sld [smem:$0x0];
	_ =	sdelay $0x2  }
0xb8: {  	s31 =	sshll.u32 s1, $0xD;
	s1 =	sshrl.u32 s1, $0x2  }
0xb9: {  	s3 =	sand.u32 $0x4000, s31;
	s1 =	sadd.s32 s1, s30  }
0xba: {  	s0 =	sor.u32 s3, s0;
	s1 =	sshll.u32 s1, $0x11  }
0xbb: {  	s0 =	sor.u32 s1, s0  }
0xbc: {  	s0 =	sadd.s32 $0x8F2B, s0  }
0xbd: {  	[sflag:s0] =	ssyncadd.remote.s32 $0x1  }
0xbe: {  	_ =	sfence.sel $0xFFFF  }
0xbf: {  	[dreg:$0x0] =	wrdreg $0xFFFFFFFF;
	(pc) =	sbr.abs _section_cstart, $3  }
0xc0: {  	[dreg:$0x1] =	wrdreg $0xFFFFFFFF  }
0xc1: {  	_ =	task.clear_ibuf [dreg:s6], $0x2FFFF;
	_ =	strace $0x9FFFFFFF  }
0xc2: {  	(tm) =	ssettm $0x7FFFFFFF  }
0xc3: {  	_ =	shalt  }
tec
execute0_lowered:
.L_overlay_start_1:
0x0: {  	(tag) =	ssettag $0x1  }
0x1: {  	s5 =	rddreg [dreg:$0x0]  }
0x2: {  	s2 =	rddreg [dreg:$0x1];
	s3 =	srdreg.scid  }
0x3: {  	s0 =	rddreg [dreg:$0x2];
	s1 =	stileid.u32;
	s13 =	simm.s32 $0x2900  }
0x4: {  	s14 =	simm.s32 $0x3;
	s15 =	simm.s32 $0x1;
	s16 =	simm.s32 $0x50  }
0x5: {  	s17 =	simm.s32 $0x100;
	s18 =	simm.s32 $0x2;
	s8 =	smul.u32 $0x1F400, s1  }
0x6: {  	s20 =	simm.s32 $0x0;
	s6 =	sand.u32 $0x1, s3;
	s28 =	smul.u32 $0x4E20, s1  }
0x7: {  	s3 =	simm.s32 $0x0;
	s4 =	sshll.u32 s1, $0x1;
	s30 =	smul.u32 $0x7D000, s1  }
0x8: {  	p0 =	sgt.u32 s1, $0x9;
	s7 =	smul.u32 $0x138800, s6;
	[smem:$0x7FF] =	sst s3  }
0x9: {  	s4 =	sor.u32 s6, s4;
	s10 =	ssub.s32 $0x2, s6;
	s6 =	smul.u32 $0x2710, s6  }
0xa: {  	s19 =	sshll.u32 @!p0 s1, $0x6;
	_ =	strace $0x80000047;
	s9 =	smul.u32 $0x2710, s4  }
0xb: {  	s4 =	sadd.s32 $0x3600, s5;
	s11 =	sshrl.u32 s10, $0x1;
	s19 =	sor.u32 @!p0 $0x1C03, s19  }
0xc: {  	s7 =	sadd.s32 s8, s7;
	s12 =	sadd.s32 s6, s28;
	s10 =	ssub.s32 s10, s11  }
.Ltmp0:
0xd: {  	s7 =	sshrl.u32 s7, $0x3;
	s29 =	sshrl.u32 s9, $0x3;
	(pc) =	sbr.rel .LBB2_1-.Ltmp0, $4  }
0xe: {  	s8 =	sadd.s32 $0xF0, s12;
	s9 =	sshrl.u32 s30, $0x2;
	s11 =	sadd.s32 $0xA0, s12  }
0xf: {  	s12 =	simm.s32 $0x80;
	s7 =	sadd.s32 s7, s5;
	s5 =	sadd.s32 s4, s29  }
0x10: {  	s31 =	sshrl.u32 s8, $0x3;
	s8 =	sadd.s32 s9, s2;
	s9 =	smax.u32 s10, $0x1  }
0x11: {  	v0 =	vimm.f32 $0.0e+00;
	v1 =	vimm.f32 $1.000000000e+00;
	s6 =	sadd.s32 $0xA, s5;
	s7 =	sadd.s32 $0x17200, s7;
	s10 =	sadd.s32 s31, s4  }
.LBB2_10:
0x12: {  	_ =	swait.ge [sflag:s15], $0x50  }
0x13: {  	[sflag:s15] =	ssyncset.done $0x0  }
0x14: {  	[sflag:s15] =	ssyncadd.s32 $0xFFFFFFB0  }
0x15: {  	[spmem:s2] =	stream.indirect.scatter.add.f32 [tilespmem:s17], [sflag:$0x3], $0x10, s3, s16, $0xb8;
	[tilespmem:$0x6410] =	vst v63  }
0x16: {  	_ =	swait.ge [sflag:s14], $0x500  }
0x17: {  	[sflag:s14] =	ssyncset.done $0x0  }
0x18: {  	s20 =	sadd.s32 $0x1, s20;
	[sflag:s14] =	ssyncadd.s32 $0xFFFFFB00  }
0x19: {  	s21 =	sshrl.u32 @!p0 s8, $0x3;
	p1 =	sne.s32 s20, s9;
	[bflag:$0x0] =	sbarrier.arrive $0xFFFF  }
0x1a: {  	[hbm:s7], [sflag:s19] =	dma.local @!p0 [spmem:s21], $0x3E80  }
.Ltmp1:
0x1b: {  	_ = 	snop;
	(pc) =	sbr.rel @!p1 .LBB2_11-.Ltmp1, $4  }
0x1c: {  	s21 =	simm.s32 @!p0 $0x3  }
0x1d: {  	_ =	swait.ge @!p0 [sflag:s21], $0x3E80  }
0x1e: {  	[sflag:s21] =	ssyncset.done @!p0 $0x0  }
0x1f: {  	[sflag:s21] =	ssyncadd.s32 @!p0 $0xFFFFC180  }
.LBB2_1:
0x20: {  	[tilespmem:s3], [sflag:$0x1] =	stream.linear.gather [hbm4b:s5+s3], $0x50, $0x38;
	[tilespmem:$0x6410] =	vst v63  }
0x21: {  	_ = 	snop  }
0x22: {  	[tilespmem:s12], [sflag:$0x2] =	stream.linear.gather [hbm4b:s6+s3], $0x50, $0x38;
	[tilespmem:$0x6410] =	vst v63  }
0x23: {  	[tilespmem:$0x2900] =	vst v0  }
0x24: {  	[tilespmem:$0x2980] =	vst v0  }
0x25: {  	[tilespmem:$0x2A00] =	vst v0  }
0x26: {  	[tilespmem:$0x2A80] =	vst v0  }
0x27: {  	[tilespmem:$0x2B00] =	vst v0  }
0x28: {  	[tilespmem:$0x2B80] =	vst v0  }
0x29: {  	[tilespmem:$0x2C00] =	vst v0  }
0x2a: {  	[tilespmem:$0x2C80] =	vst v0  }
0x2b: {  	[tilespmem:$0x2D00] =	vst v0  }
0x2c: {  	[tilespmem:$0x2D80] =	vst v0  }
0x2d: {  	[tilespmem:$0x2E00] =	vst v0  }
0x2e: {  	[tilespmem:$0x2E80] =	vst v0  }
0x2f: {  	[tilespmem:$0x2F00] =	vst v0  }
0x30: {  	[tilespmem:$0x2F80] =	vst v0  }
0x31: {  	[tilespmem:$0x3000] =	vst v0  }
0x32: {  	[tilespmem:$0x3080] =	vst v0  }
0x33: {  	[tilespmem:$0x3100] =	vst v0  }
0x34: {  	[tilespmem:$0x3180] =	vst v0  }
0x35: {  	[tilespmem:$0x3200] =	vst v0  }
0x36: {  	[tilespmem:$0x3280] =	vst v0  }
0x37: {  	[tilespmem:$0x3300] =	vst v0  }
0x38: {  	[tilespmem:$0x3380] =	vst v0  }
0x39: {  	[tilespmem:$0x3400] =	vst v0  }
0x3a: {  	[tilespmem:$0x3480] =	vst v0  }
0x3b: {  	[tilespmem:$0x3500] =	vst v0  }
0x3c: {  	[tilespmem:$0x3580] =	vst v0  }
0x3d: {  	[tilespmem:$0x3600] =	vst v0  }
0x3e: {  	[tilespmem:$0x3680] =	vst v0  }
0x3f: {  	[tilespmem:$0x3700] =	vst v0  }
0x40: {  	[tilespmem:$0x3780] =	vst v0  }
0x41: {  	[tilespmem:$0x3800] =	vst v0  }
0x42: {  	[tilespmem:$0x3880] =	vst v0  }
0x43: {  	[tilespmem:$0x3900] =	vst v0  }
0x44: {  	[tilespmem:$0x3980] =	vst v0  }
0x45: {  	[tilespmem:$0x3A00] =	vst v0  }
0x46: {  	[tilespmem:$0x3A80] =	vst v0  }
0x47: {  	[tilespmem:$0x3B00] =	vst v0  }
0x48: {  	[tilespmem:$0x3B80] =	vst v0  }
0x49: {  	[tilespmem:$0x3C00] =	vst v0  }
0x4a: {  	s21 =	simm.s32 $0x200;
	s22 =	simm.s32 $0x0;
	[tilespmem:$0x3C80] =	vst v0  }
.LBB2_2:
0x4b: {  	p1 =	sne.s32 s21, $0x9E00;
	[tilespmem:s22+$0x100] =	vst v1;
	s22 =	smov.u32 s21;
	s21 =	sadd.s32 $0x200, s21  }
.Ltmp2:
0x4c: {  	(pc) =	sbr.rel @p1 .LBB2_2-.Ltmp2, $2  }
0x4d: {  	_ =	sdelay $0x2  }
0x4e: {  	s22 =	sshra.s32 s22, $0x2  }
.Ltmp3:
0x4f: {  	(pc) =	sbr.rel @p0 .LBB2_7-.Ltmp3, $2  }
0x50: {  	_ =	sdelay $0x2  }
0x51: {  	[tilespmem:s22+$0x100] =	vst v1  }
0x52: {  	s21 =	sadd.s32 $0x0, s8  }
0x53: {  	[spmem:s21] =	stream.linear.scatter [tilespmem:s13], [sflag:$0x3], $0x1400, $0x38;
	[tilespmem:$0x6410] =	vst v63  }
0x54: {  	s21 =	simm.s32 $0x5000;
	_ =	swait.ge [sflag:s14], $0x1400  }
.LBB2_5:
0x55: {  	s22 =	sshra.s32 s21, $0x2;
	[sflag:s14] =	ssyncset.done $0x0;
	p1 =	sne.s32 s21, $0x78000  }
.Ltmp4:
0x56: {  	s22 =	sadd.s32 s22, s8;
	[sflag:s14] =	ssyncadd.s32 $0xFFFFEC00;
	(pc) =	sbr.rel @p1 .LBB2_5-.Ltmp4, $3  }
0x57: {  	[spmem:s22] =	stream.linear.scatter [tilespmem:s13], [sflag:$0x3], $0x1400, $0x38;
	[tilespmem:$0x6410] =	vst v63  }
0x58: {  	s21 =	sadd.s32 $0x5000, s21;
	_ =	sdelay $0x1  }
0x59: {  	_ =	swait.ge [sflag:s14], $0x1400  }
0x5a: {  	[sflag:s14] =	ssyncset.done $0x0  }
0x5b: {  	[sflag:s14] =	ssyncadd.s32 $0xFFFFEC00  }
.LBB2_7:
0x5c: {  	[bflag:$0x0] =	sbarrier.arrive $0xFFFF;
	s21 =	simm.s32 $0x0;
	s22 =	smov.u32 s11  }
.LBB2_8:
0x5d: {  	_ =	swait.ge [sflag:s15], $0x50  }
0x5e: {  	[sflag:s15] =	ssyncset.done $0x0  }
0x5f: {  	[sflag:s15] =	ssyncadd.s32 $0xFFFFFFB0  }
0x60: {  	[spmem:s2] =	stream.indirect.scatter.add.f32 [tilespmem:s17], [sflag:$0x3], $0x10, s3, s16, $0xb8;
	[tilespmem:$0x6410] =	vst v63  }
0x61: {  	_ =	swait.ge [sflag:s14], $0x500  }
0x62: {  	s23 =	sshrl.u32 s22, $0x3;
	[sflag:s14] =	ssyncset.done $0x0  }
0x63: {  	s23 =	sadd.s32 s4, s23;
	[sflag:s14] =	ssyncadd.s32 $0xFFFFFB00  }
0x64: {  	[tilespmem:s3], [sflag:$0x1] =	stream.linear.gather [hbm4b:s23+s3], $0x50, $0x38;
	[tilespmem:$0x6410] =	vst v63  }
0x65: {  	_ =	swait.ge [sflag:s18], $0x50  }
0x66: {  	p1 =	seq.s32 s21, $0x4C4;
	[sflag:s18] =	ssyncset.done $0x0  }
.Ltmp5:
0x67: {  	[sflag:s18] =	ssyncadd.s32 $0xFFFFFFB0;
	(pc) =	sbr.rel @p1 .LBB2_10-.Ltmp5, $4  }
0x68: {  	[spmem:s2] =	stream.indirect.scatter.add.f32 [tilespmem:s17], [sflag:$0x3], $0x10, s12, s16, $0xb8;
	[tilespmem:$0x6410] =	vst v63  }
0x69: {  	_ =	swait.ge [sflag:s14], $0x500  }
0x6a: {  	[sflag:s14] =	ssyncset.done $0x0  }
0x6b: {  	[sflag:s14] =	ssyncadd.s32 $0xFFFFFB00  }
.Ltmp6:
0x6c: {  	(pc) =	sbr.rel .LBB2_8-.Ltmp6, $3  }
0x6d: {  	_ =	sdelay $0x1  }
0x6e: {  	s23 =	sadd.s32 s21, s10;
	s21 =	sadd.s32 $0x14, s21;
	s22 =	sadd.s32 $0xA0, s22  }
0x6f: {  	[tilespmem:s12], [sflag:$0x2] =	stream.linear.gather [hbm4b:s23+s3], $0x50, $0x38;
	[tilespmem:$0x6410] =	vst v63  }
.LBB2_11:
0x70: {  	_ =	sfence.sel $0x180000  }
0x71: {  	[bflag:$0x0] =	sbarrier.arrive $0xFFFF  }
0x72: {  	p0 =	sne.s32 s1, $0x0;
	_ =	strace $0x90000047  }
0x73: {  	s0 =	sadd.s32 @!p0 $0x100000, s0;
	[bflag:$0x2] =	sbarrier.arrive $0xFFFF  }
0x74: {  	[sflag:s0] =	ssyncadd.tile.s32 @!p0 $0x1;
	_ =	shalt  }
.Lfunc_end2:
_tile_overlayer_lowered:
.L_overlay_start_2:
0x75: {  	(tag) =	ssettag $0x2  }
0x76: {  	s0 =	rddreg [dreg:$0x0];
	s2 =	stileid.u32  }
0x77: {  	s1 =	rddreg [dreg:$0x1];
	p0 =	sne.s32 s2, $0x0  }
0x78: {  	s3 =	rddreg [dreg:$0x2];
	[bflag:$0x3] =	sbarrier.arrive $0xFFFF;
	s2 =	simm.s32 @!p0 $0x1C03  }
0x79: {  	[timem:s3], [sflag:s2] =	dma.local @!p0 [hbm:s0], s1  }
0x7a: {  	s0 =	simm.s32 @!p0 $0x3  }
0x7b: {  	_ =	swait.ge @!p0 [sflag:s0], s1  }
0x7c: {  	s1 =	ssub.s32 @!p0 $0x0, s1;
	[sflag:s0] =	ssyncset.done @!p0 $0x0  }
0x7d: {  	[sflag:s0] =	ssyncadd.s32 @!p0 s1  }
0x7e: {  	[bflag:$0x3] =	sbarrier.arrive $0xFFFF  }
0x7f: {  	_ =	shalt  }

</sc_bundles>
